<compile_context>
chip_gen: v7x
topology: tpu7x:2x2x1
jax: 0.10.2.dev20260603
libtpu: 0.0.44.dev20260713+nightly
codegen_flags: <defaults>
</compile_context>

<pallas_src>
import functools

import jax
import jax.numpy as jnp
from jax import lax
from jax.experimental import pallas as pl
from jax.experimental.pallas import tpu as pltpu
from jax.experimental.pallas import tpu_sc as plsc

H = 512
W = 512
C = 96
N_BOXES = 5000
GRID_PTS = 49
N_PAD = 5120
BN = 256
P_PAD = N_PAD * GRID_PTS
NC = 2
NS = 16
NW = NC * NS
CPT = P_PAD // NW
PB = 160
NBLK = CPT // PB
IB = PB * 4
IDMA = 128
NIDMA = IB // IDMA


def _idxw_body(boxes_ref, hw_ref, idx_ref, w_ref):
    b = boxes_ref[...]
    x1 = b[:, 0:1]
    y1 = b[:, 1:2]
    x2 = b[:, 2:3]
    y2 = b[:, 3:4]
    wm1 = hw_ref[0, 1]
    hm1 = hw_ref[0, 0]
    x1n = x1 / wm1
    y1n = y1 / hm1
    x2n = x2 / wm1
    y2n = y2 / hm1

    col = lax.broadcasted_iota(jnp.int32, (BN, 4 * GRID_PTS), 1)
    gy = col // 28
    gx = (col // 4) % 7
    jm = col % 4
    j0 = jm // 2
    j1 = jm % 2
    gyf = gy.astype(jnp.float32) / 6.0
    gxf = gx.astype(jnp.float32) / 6.0

    in_y = y1n * float(H - 1) + gyf * ((y2n - y1n) * float(H - 1))
    in_x = x1n * float(W - 1) + gxf * ((x2n - x1n) * float(W - 1))
    y0f = jnp.floor(in_y)
    x0f = jnp.floor(in_x)
    wy = in_y - y0f
    wx = in_x - x0f
    y0 = jnp.clip(y0f, 0.0, float(H - 1)).astype(jnp.int32)
    y1i = jnp.clip(y0f + 1.0, 0.0, float(H - 1)).astype(jnp.int32)
    x0 = jnp.clip(x0f, 0.0, float(W - 1)).astype(jnp.int32)
    x1i = jnp.clip(x0f + 1.0, 0.0, float(W - 1)).astype(jnp.int32)
    valid = (
        (in_y >= 0.0) & (in_y <= float(H - 1))
        & (in_x >= 0.0) & (in_x <= float(W - 1))
    )

    ysel = jnp.where(j0 == 0, y0, y1i)
    wys = jnp.where(j0 == 0, 1.0 - wy, wy)
    xsel = jnp.where(j1 == 0, x0, x1i)
    wxs = jnp.where(j1 == 0, 1.0 - wx, wx)

    idx_ref[...] = ysel * W + xsel
    w_ref[...] = jnp.where(valid, wys * wxs, 0.0)


def _compute_idx_w(boxes_pad, hw):
    return pl.pallas_call(
        _idxw_body,
        grid=(N_PAD // BN,),
        in_specs=[
            pl.BlockSpec((BN, 4), lambda i: (i, 0)),
            pl.BlockSpec(memory_space=pltpu.SMEM),
        ],
        out_specs=[
            pl.BlockSpec((BN, 4 * GRID_PTS), lambda i: (i, 0)),
            pl.BlockSpec((BN, 4 * GRID_PTS), lambda i: (i, 0)),
        ],
        out_shape=[
            jax.ShapeDtypeStruct((N_PAD, 4 * GRID_PTS), jnp.int32),
            jax.ShapeDtypeStruct((N_PAD, 4 * GRID_PTS), jnp.float32),
        ],
    )(boxes_pad, hw)


def _roi_body(img_ref, idx_ref, w_ref, out_ref, idx_v, w_v, rows_v, out_v, sem):
    wid = lax.axis_index("s") * NC + lax.axis_index("c")
    lane = lax.iota(jnp.int32, 16)

    def block(blk, carry):
        pt0 = wid * CPT + blk * PB
        pltpu.sync_copy(idx_ref.at[pl.ds(pt0 * 4, IB)], idx_v)
        pltpu.sync_copy(w_ref.at[pl.ds(pt0 * 4, IB)], w_v)
        descs = [
            pltpu.async_copy(
                img_ref.at[idx_v.at[pl.ds(j * IDMA, IDMA)]],
                rows_v.at[pl.ds(j * IDMA, IDMA)],
                sem,
            )
            for j in range(NIDMA)
        ]
        for d in descs:
            d.wait()

        def point(i, c):
            r = i * 4
            rsel = [jnp.full((16,), r + j, jnp.int32) for j in range(4)]
            ws = [plsc.load_gather(w_v, [rsel[j]]) for j in range(4)]
            orow = jnp.full((16,), i, jnp.int32)
            for k in range(C // 16):
                colk = lane + (16 * k)
                acc = ws[0] * plsc.load_gather(rows_v, [rsel[0], colk])
                for j in range(1, 4):
                    acc = acc + ws[j] * plsc.load_gather(rows_v, [rsel[j], colk])
                plsc.store_scatter(out_v, [orow, colk], acc)
            return c

        lax.fori_loop(0, PB, point, 0)
        pltpu.sync_copy(out_v, out_ref.at[pl.ds(pt0, PB)])
        return carry

    lax.fori_loop(0, NBLK, block, 0)


def _roi_gather(img2d, idx2d, w_flat):
    mesh = plsc.VectorSubcoreMesh(core_axis_name="c", subcore_axis_name="s")
    run = pl.kernel(
        _roi_body,
        out_type=jax.ShapeDtypeStruct((P_PAD, C), jnp.float32),
        scratch_types=[
            pltpu.VMEM((IB,), jnp.int32),
            pltpu.VMEM((IB,), jnp.float32),
            pltpu.VMEM((IB, C), jnp.float32),
            pltpu.VMEM((PB, C), jnp.float32),
            pltpu.SemaphoreType.DMA,
        ],
        mesh=mesh,
        compiler_params=pltpu.CompilerParams(
            needs_layout_passes=False, use_tc_tiling_on_sc=False
        ),
    )
    return run(img2d, idx2d, w_flat)


def kernel(metadata, image, boxes):
    boxes2d = boxes[0].astype(jnp.float32)
    boxes_pad = jnp.pad(boxes2d, ((0, N_PAD - N_BOXES), (0, 0)))
    hw = (metadata[0:1, 0:2] - 1.0).astype(jnp.float32)

    idx2d, w2d = _compute_idx_w(boxes_pad, hw)
    idx_flat = idx2d.reshape(P_PAD * 4)
    w_flat = w2d.reshape(P_PAD * 4)
    img2d = image[0].reshape(H * W, C)

    out = _roi_gather(img2d, idx_flat, w_flat)
    out = out[: N_BOXES * GRID_PTS]
    return out.reshape(1, N_BOXES, 7, 7, C)

# --- scband reference (transcript-rebuilt; emitter-appended) ---
"""Pipeline reference for scband-region-of-interest-3255585210658 (READ-ONLY COPY).

The authoritative reference and input builder live on the scoring server;
editing this copy changes nothing except your own understanding.
"""

import jax, jax.numpy as jnp
import numpy as np

EXTENT = (7, 7)
STRIDE = 1
N_BOXES = 5000
H_IMG, W_IMG, C_IMG = 512, 512, 96


def crop_and_resize(image, boxes, size):
    # image: [B,H,W,C] (B==1, all boxes index image 0, matching the keras_rcnn usage)
    # boxes: [N,4] normalized (y1, x1, y2, x2) -- TF crop_and_resize semantics,
    # bilinear sampling, extrapolation_value = 0 for out-of-range sample points.
    B, H, W, C = image.shape
    img = image[0]
    ch, cw = size
    y1, x1, y2, x2 = boxes[:, 0], boxes[:, 1], boxes[:, 2], boxes[:, 3]
    gy = jnp.arange(ch, dtype=jnp.float32) / float(ch - 1)
    gx = jnp.arange(cw, dtype=jnp.float32) / float(cw - 1)
    in_y = y1[:, None] * (H - 1) + gy[None, :] * ((y2 - y1)[:, None] * (H - 1))  # [N,ch]
    in_x = x1[:, None] * (W - 1) + gx[None, :] * ((x2 - x1)[:, None] * (W - 1))  # [N,cw]
    y0f = jnp.floor(in_y)
    x0f = jnp.floor(in_x)
    wy = (in_y - y0f)[:, :, None, None]
    wx = (in_x - x0f)[:, None, :, None]
    y0 = jnp.clip(y0f, 0, H - 1).astype(jnp.int32)
    y1i = jnp.clip(y0f + 1.0, 0, H - 1).astype(jnp.int32)
    x0 = jnp.clip(x0f, 0, W - 1).astype(jnp.int32)
    x1i = jnp.clip(x0f + 1.0, 0, W - 1).astype(jnp.int32)

    def gather(yi, xi):
        # yi: [N,ch] int, xi: [N,cw] int -> [N,ch,cw,C]
        return img[yi[:, :, None], xi[:, None, :]]

    top = gather(y0, x0) * (1.0 - wx) + gather(y0, x1i) * wx
    bot = gather(y1i, x0) * (1.0 - wx) + gather(y1i, x1i) * wx
    val = top * (1.0 - wy) + bot * wy
    valid_y = (in_y >= 0) & (in_y <= H - 1)
    valid_x = (in_x >= 0) & (in_x <= W - 1)
    mask = valid_y[:, :, None] & valid_x[:, None, :]
    return jnp.where(mask[:, :, :, None], val, 0.0)


def setup_inputs(seed: int = 0) -> dict:
    key = jax.random.key(seed)
    k1, k2, k3, k4, k5 = jax.random.split(key, 5)
    image = jax.random.normal(k1, (1, H_IMG, W_IMG, C_IMG), dtype=jnp.float32)
    x1 = jax.random.uniform(k2, (1, N_BOXES), minval=0.0, maxval=400.0)
    y1 = jax.random.uniform(k3, (1, N_BOXES), minval=0.0, maxval=400.0)
    bw = jax.random.uniform(k4, (1, N_BOXES), minval=16.0, maxval=110.0)
    bh = jax.random.uniform(k5, (1, N_BOXES), minval=16.0, maxval=110.0)
    boxes = jnp.stack([x1, y1, jnp.minimum(x1 + bw, W_IMG - 1.0), jnp.minimum(y1 + bh, H_IMG - 1.0)], axis=-1).astype(jnp.float32)
    metadata = jnp.array([[float(H_IMG), float(W_IMG), 1.0]], dtype=jnp.float32)
    return {"metadata": metadata, "image": image, "boxes": boxes}


def reference(metadata, image, boxes):
    boxes = boxes.astype(jnp.float32) / float(STRIDE)
    x1 = boxes[..., 0]
    y1 = boxes[..., 1]
    x2 = boxes[..., 2]
    y2 = boxes[..., 3]
    shape = metadata[0]
    h = shape[0].astype(jnp.float32)
    w = shape[1].astype(jnp.float32)
    x1 = x1 / (w - 1.0)
    y1 = y1 / (h - 1.0)
    x2 = x2 / (w - 1.0)
    y2 = y2 / (h - 1.0)
    x1 = jnp.expand_dims(x1, axis=2)
    y1 = jnp.expand_dims(y1, axis=2)
    x2 = jnp.expand_dims(x2, axis=2)
    y2 = jnp.expand_dims(y2, axis=2)
    b = jnp.concatenate([y1, x1, y2, x2], axis=2)
    b = jnp.reshape(b, (-1, 4))
    slices = crop_and_resize(image, b, EXTENT)
    return jnp.expand_dims(slices, axis=0)

if __name__ == "__main__":
    import jax
    _d = setup_inputs()
    print(jax.jit(kernel)(*tuple(_d.values())))

</pallas_src>

<mosaic_0001>
#map = affine_map<(d0, d1) -> (0, 0)>
#map1 = affine_map<(d0, d1) -> (0)>
module attributes {stable_mosaic.version = 14 : i64} {
  func.func @_roi_body(%arg0: i32, %arg1: i32, %arg2: memref<262144x96xf32, #tpu.memory_space<hbm>>, %arg3: memref<1003520xi32, #tpu.memory_space<hbm>>, %arg4: memref<1003520xf32, #tpu.memory_space<hbm>>, %arg5: memref<250880x96xf32, #tpu.memory_space<hbm>>, %arg6: memref<640xi32, #tpu.memory_space<vmem>>, %arg7: memref<640xf32, #tpu.memory_space<vmem>>, %arg8: memref<640x96xf32, #tpu.memory_space<vmem>>, %arg9: memref<160x96xf32, #tpu.memory_space<vmem>>, %arg10: memref<!tpu.dma_semaphore, #tpu.memory_space<semaphore_mem>>) attributes {dimension_semantics = [#tpu.dimension_semantics<core_parallel>, #tpu.dimension_semantics<subcore_parallel>], iteration_bounds = array<i64: 2, 16>, scalar_prefetch = 0 : i64, scratch_operands = 5 : i64, tpu.core_type = #tpu.core_type<sc_vector_subcore>, window_params = [{transform_indices = #map}, {transform_indices = #map1}, {transform_indices = #map1}, {transform_indices = #map}]} {
    %mul3A = arith.constant 2 : i32
    %mul3A_0 = arith.muli %arg1, %mul3A : i32
    %add3A = arith.addi %mul3A_0, %arg0 : i32
    %iota3A = tpu.iota {dimensions = array<i32: 0>} : vector<16xi32>
    %scan3A = arith.constant 0 : i32
    %scan3A_1 = arith.constant 0 : i32
    %scan3A_2 = arith.constant 49 : i32
    %scan3A_3 = arith.addi %scan3A_1, %scan3A_2 : i32
    %scan3A_4 = arith.constant 1 : i32
    scf.for %scan3A_6 = %scan3A_1 to %scan3A_3 step %scan3A_4  : i32 {
      %mul3A_7 = arith.constant 7840 : i32
      %mul3A_8 = arith.muli %add3A, %mul3A_7 : i32
      %mul3A_9 = arith.constant 160 : i32
      %mul3A_10 = arith.muli %scan3A_6, %mul3A_9 : i32
      %add3A_11 = arith.addi %mul3A_8, %mul3A_10 : i32
      %mul3A_12 = arith.constant 4 : i32
      %mul3A_13 = arith.muli %add3A_11, %mul3A_12 : i32
      "tpu.region"() ({
        %run_scoped3A = tpu.sem_alloc : memref<!tpu.dma_semaphore, #tpu.memory_space<semaphore_mem>>
        %dma_start3A_100 = tpu.memref_slice %arg3[%mul3A_13] : memref<1003520xi32, #tpu.memory_space<hbm>> -> memref<640xi32, #tpu.memory_space<hbm>>
        %dma_start3A_101 = tpu.memref_slice %arg3[%mul3A_13] : memref<1003520xi32, #tpu.memory_space<hbm>> -> memref<640xi32, #tpu.memory_space<hbm>>
        tpu.enqueue_dma source(%dma_start3A_101 : memref<640xi32, #tpu.memory_space<hbm>>) target(%arg6 : memref<640xi32, #tpu.memory_space<vmem>>) target_semaphore(%run_scoped3A : memref<!tpu.dma_semaphore, #tpu.memory_space<semaphore_mem>>)
        %dma_wait3A_102 = tpu.memref_slice %arg3[%mul3A_13] : memref<1003520xi32, #tpu.memory_space<hbm>> -> memref<640xi32, #tpu.memory_space<hbm>>
        %dma_wait3A_103 = tpu.memref_slice %arg3[%mul3A_13] : memref<1003520xi32, #tpu.memory_space<hbm>> -> memref<640xi32, #tpu.memory_space<hbm>>
        tpu.wait_dma2 semaphore(%run_scoped3A : memref<!tpu.dma_semaphore, #tpu.memory_space<semaphore_mem>>) src(%dma_wait3A_103 : memref<640xi32, #tpu.memory_space<hbm>>) dst(%arg6 : memref<640xi32, #tpu.memory_space<vmem>>)
        tpu.yield
      }) : () -> ()
      %mul3A_14 = arith.constant 4 : i32
      %mul3A_15 = arith.muli %add3A_11, %mul3A_14 : i32
      "tpu.region"() ({
        %run_scoped3A = tpu.sem_alloc : memref<!tpu.dma_semaphore, #tpu.memory_space<semaphore_mem>>
        %dma_start3A_100 = tpu.memref_slice %arg4[%mul3A_15] : memref<1003520xf32, #tpu.memory_space<hbm>> -> memref<640xf32, #tpu.memory_space<hbm>>
        %dma_start3A_101 = tpu.memref_slice %arg4[%mul3A_15] : memref<1003520xf32, #tpu.memory_space<hbm>> -> memref<640xf32, #tpu.memory_space<hbm>>
        tpu.enqueue_dma source(%dma_start3A_101 : memref<640xf32, #tpu.memory_space<hbm>>) target(%arg7 : memref<640xf32, #tpu.memory_space<vmem>>) target_semaphore(%run_scoped3A : memref<!tpu.dma_semaphore, #tpu.memory_space<semaphore_mem>>)
        %dma_wait3A_102 = tpu.memref_slice %arg4[%mul3A_15] : memref<1003520xf32, #tpu.memory_space<hbm>> -> memref<640xf32, #tpu.memory_space<hbm>>
        %dma_wait3A_103 = tpu.memref_slice %arg4[%mul3A_15] : memref<1003520xf32, #tpu.memory_space<hbm>> -> memref<640xf32, #tpu.memory_space<hbm>>
        tpu.wait_dma2 semaphore(%run_scoped3A : memref<!tpu.dma_semaphore, #tpu.memory_space<semaphore_mem>>) src(%dma_wait3A_103 : memref<640xf32, #tpu.memory_space<hbm>>) dst(%arg7 : memref<640xf32, #tpu.memory_space<vmem>>)
        tpu.yield
      }) : () -> ()
      %dma_start3A = arith.constant 0 : i32
      %dma_start3A_16 = arith.constant 0 : i32
      %dma_start3A_17 = tpu.memref_slice %arg8[%dma_start3A, %dma_start3A_16] : memref<640x96xf32, #tpu.memory_space<vmem>> -> memref<128x96xf32, #tpu.memory_space<vmem>>
      %dma_start3A_18 = arith.constant 0 : i32
      %dma_start3A_19 = tpu.memref_slice %arg6[%dma_start3A_18] : memref<640xi32, #tpu.memory_space<vmem>> -> memref<128xi32, #tpu.memory_space<vmem>>
      %dma_start3A_20 = arith.constant 0 : i32
      %dma_start3A_21 = arith.constant 0 : i32
      %dma_start3A_22 = tpu.memref_slice %arg2[%dma_start3A_20, %dma_start3A_21] : memref<262144x96xf32, #tpu.memory_space<hbm>> -> memref<262144x96xf32, #tpu.memory_space<hbm>>
      tpu.enqueue_indirect_dma source(%dma_start3A_22 : memref<262144x96xf32, #tpu.memory_space<hbm>>) target(%dma_start3A_17 : memref<128x96xf32, #tpu.memory_space<vmem>>) offsets(%dma_start3A_19 : memref<128xi32, #tpu.memory_space<vmem>>) semaphore(%arg10 : memref<!tpu.dma_semaphore, #tpu.memory_space<semaphore_mem>>)
      %dma_start3A_23 = arith.constant 128 : i32
      %dma_start3A_24 = arith.constant 0 : i32
      %dma_start3A_25 = tpu.memref_slice %arg8[%dma_start3A_23, %dma_start3A_24] : memref<640x96xf32, #tpu.memory_space<vmem>> -> memref<128x96xf32, #tpu.memory_space<vmem>>
      %dma_start3A_26 = arith.constant 128 : i32
      %dma_start3A_27 = tpu.memref_slice %arg6[%dma_start3A_26] : memref<640xi32, #tpu.memory_space<vmem>> -> memref<128xi32, #tpu.memory_space<vmem>>
      %dma_start3A_28 = arith.constant 0 : i32
      %dma_start3A_29 = arith.constant 0 : i32
      %dma_start3A_30 = tpu.memref_slice %arg2[%dma_start3A_28, %dma_start3A_29] : memref<262144x96xf32, #tpu.memory_space<hbm>> -> memref<262144x96xf32, #tpu.memory_space<hbm>>
      tpu.enqueue_indirect_dma source(%dma_start3A_30 : memref<262144x96xf32, #tpu.memory_space<hbm>>) target(%dma_start3A_25 : memref<128x96xf32, #tpu.memory_space<vmem>>) offsets(%dma_start3A_27 : memref<128xi32, #tpu.memory_space<vmem>>) semaphore(%arg10 : memref<!tpu.dma_semaphore, #tpu.memory_space<semaphore_mem>>)
      %dma_start3A_31 = arith.constant 256 : i32
      %dma_start3A_32 = arith.constant 0 : i32
      %dma_start3A_33 = tpu.memref_slice %arg8[%dma_start3A_31, %dma_start3A_32] : memref<640x96xf32, #tpu.memory_space<vmem>> -> memref<128x96xf32, #tpu.memory_space<vmem>>
      %dma_start3A_34 = arith.constant 256 : i32
      %dma_start3A_35 = tpu.memref_slice %arg6[%dma_start3A_34] : memref<640xi32, #tpu.memory_space<vmem>> -> memref<128xi32, #tpu.memory_space<vmem>>
      %dma_start3A_36 = arith.constant 0 : i32
      %dma_start3A_37 = arith.constant 0 : i32
      %dma_start3A_38 = tpu.memref_slice %arg2[%dma_start3A_36, %dma_start3A_37] : memref<262144x96xf32, #tpu.memory_space<hbm>> -> memref<262144x96xf32, #tpu.memory_space<hbm>>
      tpu.enqueue_indirect_dma source(%dma_start3A_38 : memref<262144x96xf32, #tpu.memory_space<hbm>>) target(%dma_start3A_33 : memref<128x96xf32, #tpu.memory_space<vmem>>) offsets(%dma_start3A_35 : memref<128xi32, #tpu.memory_space<vmem>>) semaphore(%arg10 : memref<!tpu.dma_semaphore, #tpu.memory_space<semaphore_mem>>)
      %dma_start3A_39 = arith.constant 384 : i32
      %dma_start3A_40 = arith.constant 0 : i32
      %dma_start3A_41 = tpu.memref_slice %arg8[%dma_start3A_39, %dma_start3A_40] : memref<640x96xf32, #tpu.memory_space<vmem>> -> memref<128x96xf32, #tpu.memory_space<vmem>>
      %dma_start3A_42 = arith.constant 384 : i32
      %dma_start3A_43 = tpu.memref_slice %arg6[%dma_start3A_42] : memref<640xi32, #tpu.memory_space<vmem>> -> memref<128xi32, #tpu.memory_space<vmem>>
      %dma_start3A_44 = arith.constant 0 : i32
      %dma_start3A_45 = arith.constant 0 : i32
      %dma_start3A_46 = tpu.memref_slice %arg2[%dma_start3A_44, %dma_start3A_45] : memref<262144x96xf32, #tpu.memory_space<hbm>> -> memref<262144x96xf32, #tpu.memory_space<hbm>>
      tpu.enqueue_indirect_dma source(%dma_start3A_46 : memref<262144x96xf32, #tpu.memory_space<hbm>>) target(%dma_start3A_41 : memref<128x96xf32, #tpu.memory_space<vmem>>) offsets(%dma_start3A_43 : memref<128xi32, #tpu.memory_space<vmem>>) semaphore(%arg10 : memref<!tpu.dma_semaphore, #tpu.memory_space<semaphore_mem>>)
      %dma_start3A_47 = arith.constant 512 : i32
      %dma_start3A_48 = arith.constant 0 : i32
      %dma_start3A_49 = tpu.memref_slice %arg8[%dma_start3A_47, %dma_start3A_48] : memref<640x96xf32, #tpu.memory_space<vmem>> -> memref<128x96xf32, #tpu.memory_space<vmem>>
      %dma_start3A_50 = arith.constant 512 : i32
      %dma_start3A_51 = tpu.memref_slice %arg6[%dma_start3A_50] : memref<640xi32, #tpu.memory_space<vmem>> -> memref<128xi32, #tpu.memory_space<vmem>>
      %dma_start3A_52 = arith.constant 0 : i32
      %dma_start3A_53 = arith.constant 0 : i32
      %dma_start3A_54 = tpu.memref_slice %arg2[%dma_start3A_52, %dma_start3A_53] : memref<262144x96xf32, #tpu.memory_space<hbm>> -> memref<262144x96xf32, #tpu.memory_space<hbm>>
      tpu.enqueue_indirect_dma source(%dma_start3A_54 : memref<262144x96xf32, #tpu.memory_space<hbm>>) target(%dma_start3A_49 : memref<128x96xf32, #tpu.memory_space<vmem>>) offsets(%dma_start3A_51 : memref<128xi32, #tpu.memory_space<vmem>>) semaphore(%arg10 : memref<!tpu.dma_semaphore, #tpu.memory_space<semaphore_mem>>)
      %dma_wait3A = arith.constant 0 : i32
      %dma_wait3A_55 = arith.constant 0 : i32
      %dma_wait3A_56 = tpu.memref_slice %arg8[%dma_wait3A, %dma_wait3A_55] : memref<640x96xf32, #tpu.memory_space<vmem>> -> memref<128x96xf32, #tpu.memory_space<vmem>>
      %dma_wait3A_57 = arith.constant 0 : i32
      %dma_wait3A_58 = tpu.memref_slice %arg6[%dma_wait3A_57] : memref<640xi32, #tpu.memory_space<vmem>> -> memref<128xi32, #tpu.memory_space<vmem>>
      %dma_wait3A_59 = arith.constant 0 : i32
      %dma_wait3A_60 = arith.constant 0 : i32
      %dma_wait3A_61 = tpu.memref_slice %arg2[%dma_wait3A_59, %dma_wait3A_60] : memref<262144x96xf32, #tpu.memory_space<hbm>> -> memref<262144x96xf32, #tpu.memory_space<hbm>>
      tpu.wait_indirect_dma semaphore(%arg10 : memref<!tpu.dma_semaphore, #tpu.memory_space<semaphore_mem>>) src(%dma_wait3A_61 : memref<262144x96xf32, #tpu.memory_space<hbm>>) dst(%dma_wait3A_56 : memref<128x96xf32, #tpu.memory_space<vmem>>)
      %dma_wait3A_62 = arith.constant 128 : i32
      %dma_wait3A_63 = arith.constant 0 : i32
      %dma_wait3A_64 = tpu.memref_slice %arg8[%dma_wait3A_62, %dma_wait3A_63] : memref<640x96xf32, #tpu.memory_space<vmem>> -> memref<128x96xf32, #tpu.memory_space<vmem>>
      %dma_wait3A_65 = arith.constant 128 : i32
      %dma_wait3A_66 = tpu.memref_slice %arg6[%dma_wait3A_65] : memref<640xi32, #tpu.memory_space<vmem>> -> memref<128xi32, #tpu.memory_space<vmem>>
      %dma_wait3A_67 = arith.constant 0 : i32
      %dma_wait3A_68 = arith.constant 0 : i32
      %dma_wait3A_69 = tpu.memref_slice %arg2[%dma_wait3A_67, %dma_wait3A_68] : memref<262144x96xf32, #tpu.memory_space<hbm>> -> memref<262144x96xf32, #tpu.memory_space<hbm>>
      tpu.wait_indirect_dma semaphore(%arg10 : memref<!tpu.dma_semaphore, #tpu.memory_space<semaphore_mem>>) src(%dma_wait3A_69 : memref<262144x96xf32, #tpu.memory_space<hbm>>) dst(%dma_wait3A_64 : memref<128x96xf32, #tpu.memory_space<vmem>>)
      %dma_wait3A_70 = arith.constant 256 : i32
      %dma_wait3A_71 = arith.constant 0 : i32
      %dma_wait3A_72 = tpu.memref_slice %arg8[%dma_wait3A_70, %dma_wait3A_71] : memref<640x96xf32, #tpu.memory_space<vmem>> -> memref<128x96xf32, #tpu.memory_space<vmem>>
      %dma_wait3A_73 = arith.constant 256 : i32
      %dma_wait3A_74 = tpu.memref_slice %arg6[%dma_wait3A_73] : memref<640xi32, #tpu.memory_space<vmem>> -> memref<128xi32, #tpu.memory_space<vmem>>
      %dma_wait3A_75 = arith.constant 0 : i32
      %dma_wait3A_76 = arith.constant 0 : i32
      %dma_wait3A_77 = tpu.memref_slice %arg2[%dma_wait3A_75, %dma_wait3A_76] : memref<262144x96xf32, #tpu.memory_space<hbm>> -> memref<262144x96xf32, #tpu.memory_space<hbm>>
      tpu.wait_indirect_dma semaphore(%arg10 : memref<!tpu.dma_semaphore, #tpu.memory_space<semaphore_mem>>) src(%dma_wait3A_77 : memref<262144x96xf32, #tpu.memory_space<hbm>>) dst(%dma_wait3A_72 : memref<128x96xf32, #tpu.memory_space<vmem>>)
      %dma_wait3A_78 = arith.constant 384 : i32
      %dma_wait3A_79 = arith.constant 0 : i32
      %dma_wait3A_80 = tpu.memref_slice %arg8[%dma_wait3A_78, %dma_wait3A_79] : memref<640x96xf32, #tpu.memory_space<vmem>> -> memref<128x96xf32, #tpu.memory_space<vmem>>
      %dma_wait3A_81 = arith.constant 384 : i32
      %dma_wait3A_82 = tpu.memref_slice %arg6[%dma_wait3A_81] : memref<640xi32, #tpu.memory_space<vmem>> -> memref<128xi32, #tpu.memory_space<vmem>>
      %dma_wait3A_83 = arith.constant 0 : i32
      %dma_wait3A_84 = arith.constant 0 : i32
      %dma_wait3A_85 = tpu.memref_slice %arg2[%dma_wait3A_83, %dma_wait3A_84] : memref<262144x96xf32, #tpu.memory_space<hbm>> -> memref<262144x96xf32, #tpu.memory_space<hbm>>
      tpu.wait_indirect_dma semaphore(%arg10 : memref<!tpu.dma_semaphore, #tpu.memory_space<semaphore_mem>>) src(%dma_wait3A_85 : memref<262144x96xf32, #tpu.memory_space<hbm>>) dst(%dma_wait3A_80 : memref<128x96xf32, #tpu.memory_space<vmem>>)
      %dma_wait3A_86 = arith.constant 512 : i32
      %dma_wait3A_87 = arith.constant 0 : i32
      %dma_wait3A_88 = tpu.memref_slice %arg8[%dma_wait3A_86, %dma_wait3A_87] : memref<640x96xf32, #tpu.memory_space<vmem>> -> memref<128x96xf32, #tpu.memory_space<vmem>>
      %dma_wait3A_89 = arith.constant 512 : i32
      %dma_wait3A_90 = tpu.memref_slice %arg6[%dma_wait3A_89] : memref<640xi32, #tpu.memory_space<vmem>> -> memref<128xi32, #tpu.memory_space<vmem>>
      %dma_wait3A_91 = arith.constant 0 : i32
      %dma_wait3A_92 = arith.constant 0 : i32
      %dma_wait3A_93 = tpu.memref_slice %arg2[%dma_wait3A_91, %dma_wait3A_92] : memref<262144x96xf32, #tpu.memory_space<hbm>> -> memref<262144x96xf32, #tpu.memory_space<hbm>>
      tpu.wait_indirect_dma semaphore(%arg10 : memref<!tpu.dma_semaphore, #tpu.memory_space<semaphore_mem>>) src(%dma_wait3A_93 : memref<262144x96xf32, #tpu.memory_space<hbm>>) dst(%dma_wait3A_88 : memref<128x96xf32, #tpu.memory_space<vmem>>)
      %scan3A_94 = arith.constant 0 : i32
      %scan3A_95 = arith.constant 0 : i32
      %scan3A_96 = arith.constant 160 : i32
      %scan3A_97 = arith.addi %scan3A_95, %scan3A_96 : i32
      %scan3A_98 = arith.constant 1 : i32
      scf.for %scan3A_100 = %scan3A_95 to %scan3A_97 step %scan3A_98  : i32 {
        %mul3A_101 = arith.constant 4 : i32
        %mul3A_102 = arith.muli %scan3A_100, %mul3A_101 : i32
        %add3A_103 = arith.constant 0 : i32
        %add3A_104 = arith.addi %mul3A_102, %add3A_103 : i32
        %broadcast_in_dim3A = vector.broadcast %add3A_104 : i32 to vector<16xi32>
        %add3A_105 = arith.constant 1 : i32
        %add3A_106 = arith.addi %mul3A_102, %add3A_105 : i32
        %broadcast_in_dim3A_107 = vector.broadcast %add3A_106 : i32 to vector<16xi32>
        %add3A_108 = arith.constant 2 : i32
        %add3A_109 = arith.addi %mul3A_102, %add3A_108 : i32
        %broadcast_in_dim3A_110 = vector.broadcast %add3A_109 : i32 to vector<16xi32>
        %add3A_111 = arith.constant 3 : i32
        %add3A_112 = arith.addi %mul3A_102, %add3A_111 : i32
        %broadcast_in_dim3A_113 = vector.broadcast %add3A_112 : i32 to vector<16xi32>
        %gather3A = tpu.vector_load_idx %arg7[%broadcast_in_dim3A] : memref<640xf32, #tpu.memory_space<vmem>>[vector<16xi32>], vector<16xf32>,
        %gather3A_114 = tpu.vector_load_idx %arg7[%broadcast_in_dim3A_107] : memref<640xf32, #tpu.memory_space<vmem>>[vector<16xi32>], vector<16xf32>,
        %gather3A_115 = tpu.vector_load_idx %arg7[%broadcast_in_dim3A_110] : memref<640xf32, #tpu.memory_space<vmem>>[vector<16xi32>], vector<16xf32>,
        %gather3A_116 = tpu.vector_load_idx %arg7[%broadcast_in_dim3A_113] : memref<640xf32, #tpu.memory_space<vmem>>[vector<16xi32>], vector<16xf32>,
        %broadcast_in_dim3A_117 = vector.broadcast %scan3A_100 : i32 to vector<16xi32>
        %add3A_118 = arith.constant 0 : i32
        %add3A_119 = vector.broadcast %add3A_118 : i32 to vector<16xi32>
        %add3A_120 = arith.addi %iota3A, %add3A_119 : vector<16xi32>
        %gather3A_121 = tpu.vector_load_idx %arg8[%broadcast_in_dim3A, %add3A_120] : memref<640x96xf32, #tpu.memory_space<vmem>>[vector<16xi32>, vector<16xi32>], vector<16xf32>,
        %mul3A_122 = arith.mulf %gather3A, %gather3A_121 : vector<16xf32>
        %gather3A_123 = tpu.vector_load_idx %arg8[%broadcast_in_dim3A_107, %add3A_120] : memref<640x96xf32, #tpu.memory_space<vmem>>[vector<16xi32>, vector<16xi32>], vector<16xf32>,
        %mul3A_124 = arith.mulf %gather3A_114, %gather3A_123 : vector<16xf32>
        %add3A_125 = arith.addf %mul3A_122, %mul3A_124 : vector<16xf32>
        %gather3A_126 = tpu.vector_load_idx %arg8[%broadcast_in_dim3A_110, %add3A_120] : memref<640x96xf32, #tpu.memory_space<vmem>>[vector<16xi32>, vector<16xi32>], vector<16xf32>,
        %mul3A_127 = arith.mulf %gather3A_115, %gather3A_126 : vector<16xf32>
        %add3A_128 = arith.addf %add3A_125, %mul3A_127 : vector<16xf32>
        %gather3A_129 = tpu.vector_load_idx %arg8[%broadcast_in_dim3A_113, %add3A_120] : memref<640x96xf32, #tpu.memory_space<vmem>>[vector<16xi32>, vector<16xi32>], vector<16xf32>,
        %mul3A_130 = arith.mulf %gather3A_116, %gather3A_129 : vector<16xf32>
        %add3A_131 = arith.addf %add3A_128, %mul3A_130 : vector<16xf32>
        tpu.vector_store_idx %arg9[%broadcast_in_dim3A_117, %add3A_120], %add3A_131 : memref<160x96xf32, #tpu.memory_space<vmem>>[vector<16xi32>, vector<16xi32>], vector<16xf32>,
        %add3A_132 = arith.constant 16 : i32
        %add3A_133 = vector.broadcast %add3A_132 : i32 to vector<16xi32>
        %add3A_134 = arith.addi %iota3A, %add3A_133 : vector<16xi32>
        %gather3A_135 = tpu.vector_load_idx %arg8[%broadcast_in_dim3A, %add3A_134] : memref<640x96xf32, #tpu.memory_space<vmem>>[vector<16xi32>, vector<16xi32>], vector<16xf32>,
        %mul3A_136 = arith.mulf %gather3A, %gather3A_135 : vector<16xf32>
        %gather3A_137 = tpu.vector_load_idx %arg8[%broadcast_in_dim3A_107, %add3A_134] : memref<640x96xf32, #tpu.memory_space<vmem>>[vector<16xi32>, vector<16xi32>], vector<16xf32>,
        %mul3A_138 = arith.mulf %gather3A_114, %gather3A_137 : vector<16xf32>
        %add3A_139 = arith.addf %mul3A_136, %mul3A_138 : vector<16xf32>
        %gather3A_140 = tpu.vector_load_idx %arg8[%broadcast_in_dim3A_110, %add3A_134] : memref<640x96xf32, #tpu.memory_space<vmem>>[vector<16xi32>, vector<16xi32>], vector<16xf32>,
        %mul3A_141 = arith.mulf %gather3A_115, %gather3A_140 : vector<16xf32>
        %add3A_142 = arith.addf %add3A_139, %mul3A_141 : vector<16xf32>
        %gather3A_143 = tpu.vector_load_idx %arg8[%broadcast_in_dim3A_113, %add3A_134] : memref<640x96xf32, #tpu.memory_space<vmem>>[vector<16xi32>, vector<16xi32>], vector<16xf32>,
        %mul3A_144 = arith.mulf %gather3A_116, %gather3A_143 : vector<16xf32>
        %add3A_145 = arith.addf %add3A_142, %mul3A_144 : vector<16xf32>
        tpu.vector_store_idx %arg9[%broadcast_in_dim3A_117, %add3A_134], %add3A_145 : memref<160x96xf32, #tpu.memory_space<vmem>>[vector<16xi32>, vector<16xi32>], vector<16xf32>,
        %add3A_146 = arith.constant 32 : i32
        %add3A_147 = vector.broadcast %add3A_146 : i32 to vector<16xi32>
        %add3A_148 = arith.addi %iota3A, %add3A_147 : vector<16xi32>
        %gather3A_149 = tpu.vector_load_idx %arg8[%broadcast_in_dim3A, %add3A_148] : memref<640x96xf32, #tpu.memory_space<vmem>>[vector<16xi32>, vector<16xi32>], vector<16xf32>,
        %mul3A_150 = arith.mulf %gather3A, %gather3A_149 : vector<16xf32>
        %gather3A_151 = tpu.vector_load_idx %arg8[%broadcast_in_dim3A_107, %add3A_148] : memref<640x96xf32, #tpu.memory_space<vmem>>[vector<16xi32>, vector<16xi32>], vector<16xf32>,
        %mul3A_152 = arith.mulf %gather3A_114, %gather3A_151 : vector<16xf32>
        %add3A_153 = arith.addf %mul3A_150, %mul3A_152 : vector<16xf32>
        %gather3A_154 = tpu.vector_load_idx %arg8[%broadcast_in_dim3A_110, %add3A_148] : memref<640x96xf32, #tpu.memory_space<vmem>>[vector<16xi32>, vector<16xi32>], vector<16xf32>,
        %mul3A_155 = arith.mulf %gather3A_115, %gather3A_154 : vector<16xf32>
        %add3A_156 = arith.addf %add3A_153, %mul3A_155 : vector<16xf32>
        %gather3A_157 = tpu.vector_load_idx %arg8[%broadcast_in_dim3A_113, %add3A_148] : memref<640x96xf32, #tpu.memory_space<vmem>>[vector<16xi32>, vector<16xi32>], vector<16xf32>,
        %mul3A_158 = arith.mulf %gather3A_116, %gather3A_157 : vector<16xf32>
        %add3A_159 = arith.addf %add3A_156, %mul3A_158 : vector<16xf32>
        tpu.vector_store_idx %arg9[%broadcast_in_dim3A_117, %add3A_148], %add3A_159 : memref<160x96xf32, #tpu.memory_space<vmem>>[vector<16xi32>, vector<16xi32>], vector<16xf32>,
        %add3A_160 = arith.constant 48 : i32
        %add3A_161 = vector.broadcast %add3A_160 : i32 to vector<16xi32>
        %add3A_162 = arith.addi %iota3A, %add3A_161 : vector<16xi32>
        %gather3A_163 = tpu.vector_load_idx %arg8[%broadcast_in_dim3A, %add3A_162] : memref<640x96xf32, #tpu.memory_space<vmem>>[vector<16xi32>, vector<16xi32>], vector<16xf32>,
        %mul3A_164 = arith.mulf %gather3A, %gather3A_163 : vector<16xf32>
        %gather3A_165 = tpu.vector_load_idx %arg8[%broadcast_in_dim3A_107, %add3A_162] : memref<640x96xf32, #tpu.memory_space<vmem>>[vector<16xi32>, vector<16xi32>], vector<16xf32>,
        %mul3A_166 = arith.mulf %gather3A_114, %gather3A_165 : vector<16xf32>
        %add3A_167 = arith.addf %mul3A_164, %mul3A_166 : vector<16xf32>
        %gather3A_168 = tpu.vector_load_idx %arg8[%broadcast_in_dim3A_110, %add3A_162] : memref<640x96xf32, #tpu.memory_space<vmem>>[vector<16xi32>, vector<16xi32>], vector<16xf32>,
        %mul3A_169 = arith.mulf %gather3A_115, %gather3A_168 : vector<16xf32>
        %add3A_170 = arith.addf %add3A_167, %mul3A_169 : vector<16xf32>
        %gather3A_171 = tpu.vector_load_idx %arg8[%broadcast_in_dim3A_113, %add3A_162] : memref<640x96xf32, #tpu.memory_space<vmem>>[vector<16xi32>, vector<16xi32>], vector<16xf32>,
        %mul3A_172 = arith.mulf %gather3A_116, %gather3A_171 : vector<16xf32>
        %add3A_173 = arith.addf %add3A_170, %mul3A_172 : vector<16xf32>
        tpu.vector_store_idx %arg9[%broadcast_in_dim3A_117, %add3A_162], %add3A_173 : memref<160x96xf32, #tpu.memory_space<vmem>>[vector<16xi32>, vector<16xi32>], vector<16xf32>,
        %add3A_174 = arith.constant 64 : i32
        %add3A_175 = vector.broadcast %add3A_174 : i32 to vector<16xi32>
        %add3A_176 = arith.addi %iota3A, %add3A_175 : vector<16xi32>
        %gather3A_177 = tpu.vector_load_idx %arg8[%broadcast_in_dim3A, %add3A_176] : memref<640x96xf32, #tpu.memory_space<vmem>>[vector<16xi32>, vector<16xi32>], vector<16xf32>,
        %mul3A_178 = arith.mulf %gather3A, %gather3A_177 : vector<16xf32>
        %gather3A_179 = tpu.vector_load_idx %arg8[%broadcast_in_dim3A_107, %add3A_176] : memref<640x96xf32, #tpu.memory_space<vmem>>[vector<16xi32>, vector<16xi32>], vector<16xf32>,
        %mul3A_180 = arith.mulf %gather3A_114, %gather3A_179 : vector<16xf32>
        %add3A_181 = arith.addf %mul3A_178, %mul3A_180 : vector<16xf32>
        %gather3A_182 = tpu.vector_load_idx %arg8[%broadcast_in_dim3A_110, %add3A_176] : memref<640x96xf32, #tpu.memory_space<vmem>>[vector<16xi32>, vector<16xi32>], vector<16xf32>,
        %mul3A_183 = arith.mulf %gather3A_115, %gather3A_182 : vector<16xf32>
        %add3A_184 = arith.addf %add3A_181, %mul3A_183 : vector<16xf32>
        %gather3A_185 = tpu.vector_load_idx %arg8[%broadcast_in_dim3A_113, %add3A_176] : memref<640x96xf32, #tpu.memory_space<vmem>>[vector<16xi32>, vector<16xi32>], vector<16xf32>,
        %mul3A_186 = arith.mulf %gather3A_116, %gather3A_185 : vector<16xf32>
        %add3A_187 = arith.addf %add3A_184, %mul3A_186 : vector<16xf32>
        tpu.vector_store_idx %arg9[%broadcast_in_dim3A_117, %add3A_176], %add3A_187 : memref<160x96xf32, #tpu.memory_space<vmem>>[vector<16xi32>, vector<16xi32>], vector<16xf32>,
        %add3A_188 = arith.constant 80 : i32
        %add3A_189 = vector.broadcast %add3A_188 : i32 to vector<16xi32>
        %add3A_190 = arith.addi %iota3A, %add3A_189 : vector<16xi32>
        %gather3A_191 = tpu.vector_load_idx %arg8[%broadcast_in_dim3A, %add3A_190] : memref<640x96xf32, #tpu.memory_space<vmem>>[vector<16xi32>, vector<16xi32>], vector<16xf32>,
        %mul3A_192 = arith.mulf %gather3A, %gather3A_191 : vector<16xf32>
        %gather3A_193 = tpu.vector_load_idx %arg8[%broadcast_in_dim3A_107, %add3A_190] : memref<640x96xf32, #tpu.memory_space<vmem>>[vector<16xi32>, vector<16xi32>], vector<16xf32>,
        %mul3A_194 = arith.mulf %gather3A_114, %gather3A_193 : vector<16xf32>
        %add3A_195 = arith.addf %mul3A_192, %mul3A_194 : vector<16xf32>
        %gather3A_196 = tpu.vector_load_idx %arg8[%broadcast_in_dim3A_110, %add3A_190] : memref<640x96xf32, #tpu.memory_space<vmem>>[vector<16xi32>, vector<16xi32>], vector<16xf32>,
        %mul3A_197 = arith.mulf %gather3A_115, %gather3A_196 : vector<16xf32>
        %add3A_198 = arith.addf %add3A_195, %mul3A_197 : vector<16xf32>
        %gather3A_199 = tpu.vector_load_idx %arg8[%broadcast_in_dim3A_113, %add3A_190] : memref<640x96xf32, #tpu.memory_space<vmem>>[vector<16xi32>, vector<16xi32>], vector<16xf32>,
        %mul3A_200 = arith.mulf %gather3A_116, %gather3A_199 : vector<16xf32>
        %add3A_201 = arith.addf %add3A_198, %mul3A_200 : vector<16xf32>
        tpu.vector_store_idx %arg9[%broadcast_in_dim3A_117, %add3A_190], %add3A_201 : memref<160x96xf32, #tpu.memory_space<vmem>>[vector<16xi32>, vector<16xi32>], vector<16xf32>,
      }
      %scan3A_99 = arith.constant 160 : i32
      "tpu.region"() ({
        %run_scoped3A = tpu.sem_alloc : memref<!tpu.dma_semaphore, #tpu.memory_space<semaphore_mem>>
        %dma_start3A_100 = arith.constant 0 : i32
        %dma_start3A_101 = tpu.memref_slice %arg5[%add3A_11, %dma_start3A_100] : memref<250880x96xf32, #tpu.memory_space<hbm>> -> memref<160x96xf32, #tpu.memory_space<hbm>>
        %dma_start3A_102 = arith.constant 0 : i32
        %dma_start3A_103 = tpu.memref_slice %arg5[%add3A_11, %dma_start3A_102] : memref<250880x96xf32, #tpu.memory_space<hbm>> -> memref<160x96xf32, #tpu.memory_space<hbm>>
        tpu.enqueue_dma source(%arg9 : memref<160x96xf32, #tpu.memory_space<vmem>>) target(%dma_start3A_103 : memref<160x96xf32, #tpu.memory_space<hbm>>) target_semaphore(%run_scoped3A : memref<!tpu.dma_semaphore, #tpu.memory_space<semaphore_mem>>)
        %dma_wait3A_104 = arith.constant 0 : i32
        %dma_wait3A_105 = tpu.memref_slice %arg5[%add3A_11, %dma_wait3A_104] : memref<250880x96xf32, #tpu.memory_space<hbm>> -> memref<160x96xf32, #tpu.memory_space<hbm>>
        %dma_wait3A_106 = arith.constant 0 : i32
        %dma_wait3A_107 = tpu.memref_slice %arg5[%add3A_11, %dma_wait3A_106] : memref<250880x96xf32, #tpu.memory_space<hbm>> -> memref<160x96xf32, #tpu.memory_space<hbm>>
        tpu.wait_dma2 semaphore(%run_scoped3A : memref<!tpu.dma_semaphore, #tpu.memory_space<semaphore_mem>>) src(%arg9 : memref<160x96xf32, #tpu.memory_space<vmem>>) dst(%dma_wait3A_107 : memref<160x96xf32, #tpu.memory_space<hbm>>)
        tpu.yield
      }) : () -> ()
    }
    %scan3A_5 = arith.constant 49 : i32
    return
  }
}

module attributes {stable_mosaic.version = 14 : i64} {
  func.func @_idxw_body(%arg0: i32, %arg1: memref<256x4xf32, #tpu.memory_space<vmem>>, %arg2: memref<1x2xf32, #tpu.memory_space<smem>>, %arg3: memref<256x196xi32, #tpu.memory_space<vmem>>, %arg4: memref<256x196xf32, #tpu.memory_space<vmem>>) attributes {dimension_semantics = [#tpu.dimension_semantics<arbitrary>], iteration_bounds = array<i64: 20>, scalar_prefetch = 0 : i64, scratch_operands = 0 : i64, tpu.core_type = #tpu.core_type<tc>, window_params = [{transform_indices = @transform_0, window_bounds = array<i64: 256, 4>}, {transform_indices = @transform_1, window_bounds = array<i64: 1, 2>}, {transform_indices = @transform_2, window_bounds = array<i64: 256, 196>}, {transform_indices = @transform_3, window_bounds = array<i64: 256, 196>}]} {
    %get3A = arith.constant 0 : index
    %get3A_0 = arith.constant 0 : index
    %get3A_1 = vector.load %arg1[%get3A, %get3A_0] : memref<256x4xf32, #tpu.memory_space<vmem>>, vector<256x4xf32>
    %slice3A = vector.extract_strided_slice %get3A_1 {offsets = [0, 0], sizes = [256, 1], strides = [1, 1]} : vector<256x4xf32> to vector<256x1xf32>
    %slice3A_2 = vector.extract_strided_slice %get3A_1 {offsets = [0, 1], sizes = [256, 1], strides = [1, 1]} : vector<256x4xf32> to vector<256x1xf32>
    %slice3A_3 = vector.extract_strided_slice %get3A_1 {offsets = [0, 2], sizes = [256, 1], strides = [1, 1]} : vector<256x4xf32> to vector<256x1xf32>
    %slice3A_4 = vector.extract_strided_slice %get3A_1 {offsets = [0, 3], sizes = [256, 1], strides = [1, 1]} : vector<256x4xf32> to vector<256x1xf32>
    %get3A_5 = arith.constant 0 : index
    %get3A_6 = arith.constant 1 : index
    %get3A_7 = memref.load %arg2[%get3A_5, %get3A_6] : memref<1x2xf32, #tpu.memory_space<smem>>
    %get3A_8 = arith.constant 0 : index
    %get3A_9 = arith.constant 0 : index
    %get3A_10 = memref.load %arg2[%get3A_8, %get3A_9] : memref<1x2xf32, #tpu.memory_space<smem>>
    %div3A = vector.broadcast %get3A_7 : f32 to vector<256x1xf32>
    %div3A_11 = arith.divf %slice3A, %div3A : vector<256x1xf32>
    %div3A_12 = vector.broadcast %get3A_10 : f32 to vector<256x1xf32>
    %div3A_13 = arith.divf %slice3A_2, %div3A_12 : vector<256x1xf32>
    %div3A_14 = vector.broadcast %get3A_7 : f32 to vector<256x1xf32>
    %div3A_15 = arith.divf %slice3A_3, %div3A_14 : vector<256x1xf32>
    %div3A_16 = vector.broadcast %get3A_10 : f32 to vector<256x1xf32>
    %div3A_17 = arith.divf %slice3A_4, %div3A_16 : vector<256x1xf32>
    %iota3A = tpu.iota {dimensions = array<i32: 1>} : vector<256x196xi32>
    %jit3A = arith.constant 28 : i32
    %div3A_18 = vector.broadcast %jit3A : i32 to vector<256x196xi32>
    %div3A_19 = arith.divsi %iota3A, %div3A_18 : vector<256x196xi32>
    %sign3A = arith.constant 0 : i32
    %sign3A_20 = vector.broadcast %sign3A : i32 to vector<256x196xi32>
    %sign3A_21 = arith.cmpi sgt, %iota3A, %sign3A_20 : vector<256x196xi32>
    %sign3A_22 = arith.extui %sign3A_21 : vector<256x196xi1> to vector<256x196xi32>
    %sign3A_23 = arith.constant 0 : i32
    %sign3A_24 = vector.broadcast %sign3A_23 : i32 to vector<256x196xi32>
    %sign3A_25 = arith.cmpi slt, %iota3A, %sign3A_24 : vector<256x196xi32>
    %sign3A_26 = arith.extui %sign3A_25 : vector<256x196xi1> to vector<256x196xi32>
    %sign3A_27 = arith.subi %sign3A_22, %sign3A_26 : vector<256x196xi32>
    %sign3A_28 = arith.constant 0 : i32
    %sign3A_29 = arith.cmpi sgt, %jit3A, %sign3A_28 : i32
    %sign3A_30 = arith.extui %sign3A_29 : i1 to i32
    %sign3A_31 = arith.constant 0 : i32
    %sign3A_32 = arith.cmpi slt, %jit3A, %sign3A_31 : i32
    %sign3A_33 = arith.extui %sign3A_32 : i1 to i32
    %sign3A_34 = arith.subi %sign3A_30, %sign3A_33 : i32
    %ne3A = vector.broadcast %sign3A_34 : i32 to vector<256x196xi32>
    %ne3A_35 = arith.cmpi ne, %sign3A_27, %ne3A : vector<256x196xi32>
    %rem3A = vector.broadcast %jit3A : i32 to vector<256x196xi32>
    %rem3A_36 = arith.remsi %iota3A, %rem3A : vector<256x196xi32>
    %ne3A_37 = arith.constant 0 : i32
    %ne3A_38 = vector.broadcast %ne3A_37 : i32 to vector<256x196xi32>
    %ne3A_39 = arith.cmpi ne, %rem3A_36, %ne3A_38 : vector<256x196xi32>
    %and3A = arith.andi %ne3A_35, %ne3A_39 : vector<256x196xi1>
    %sub3A = arith.constant 1 : i32
    %sub3A_40 = vector.broadcast %sub3A : i32 to vector<256x196xi32>
    %sub3A_41 = arith.subi %div3A_19, %sub3A_40 : vector<256x196xi32>
    %select_n3A = arith.select %and3A, %sub3A_41, %div3A_19 : vector<256x196xi1>, vector<256x196xi32>
    %jit3A_42 = arith.constant 4 : i32
    %div3A_43 = vector.broadcast %jit3A_42 : i32 to vector<256x196xi32>
    %div3A_44 = arith.divsi %iota3A, %div3A_43 : vector<256x196xi32>
    %sign3A_45 = arith.constant 0 : i32
    %sign3A_46 = vector.broadcast %sign3A_45 : i32 to vector<256x196xi32>
    %sign3A_47 = arith.cmpi sgt, %iota3A, %sign3A_46 : vector<256x196xi32>
    %sign3A_48 = arith.extui %sign3A_47 : vector<256x196xi1> to vector<256x196xi32>
    %sign3A_49 = arith.constant 0 : i32
    %sign3A_50 = vector.broadcast %sign3A_49 : i32 to vector<256x196xi32>
    %sign3A_51 = arith.cmpi slt, %iota3A, %sign3A_50 : vector<256x196xi32>
    %sign3A_52 = arith.extui %sign3A_51 : vector<256x196xi1> to vector<256x196xi32>
    %sign3A_53 = arith.subi %sign3A_48, %sign3A_52 : vector<256x196xi32>
    %sign3A_54 = arith.constant 0 : i32
    %sign3A_55 = arith.cmpi sgt, %jit3A_42, %sign3A_54 : i32
    %sign3A_56 = arith.extui %sign3A_55 : i1 to i32
    %sign3A_57 = arith.constant 0 : i32
    %sign3A_58 = arith.cmpi slt, %jit3A_42, %sign3A_57 : i32
    %sign3A_59 = arith.extui %sign3A_58 : i1 to i32
    %sign3A_60 = arith.subi %sign3A_56, %sign3A_59 : i32
    %ne3A_61 = vector.broadcast %sign3A_60 : i32 to vector<256x196xi32>
    %ne3A_62 = arith.cmpi ne, %sign3A_53, %ne3A_61 : vector<256x196xi32>
    %rem3A_63 = vector.broadcast %jit3A_42 : i32 to vector<256x196xi32>
    %rem3A_64 = arith.remsi %iota3A, %rem3A_63 : vector<256x196xi32>
    %ne3A_65 = arith.constant 0 : i32
    %ne3A_66 = vector.broadcast %ne3A_65 : i32 to vector<256x196xi32>
    %ne3A_67 = arith.cmpi ne, %rem3A_64, %ne3A_66 : vector<256x196xi32>
    %and3A_68 = arith.andi %ne3A_62, %ne3A_67 : vector<256x196xi1>
    %sub3A_69 = arith.constant 1 : i32
    %sub3A_70 = vector.broadcast %sub3A_69 : i32 to vector<256x196xi32>
    %sub3A_71 = arith.subi %div3A_44, %sub3A_70 : vector<256x196xi32>
    %select_n3A_72 = arith.select %and3A_68, %sub3A_71, %div3A_44 : vector<256x196xi1>, vector<256x196xi32>
    %jit3A_73 = arith.constant 7 : i32
    %eq3A = arith.constant 0 : i32
    %eq3A_74 = arith.cmpi eq, %jit3A_73, %eq3A : i32
    %jit3A_75 = arith.constant 1 : i32
    %select_n3A_76 = arith.select %eq3A_74, %jit3A_75, %jit3A_73 : i32
    %rem3A_77 = vector.broadcast %select_n3A_76 : i32 to vector<256x196xi32>
    %rem3A_78 = arith.remsi %select_n3A_72, %rem3A_77 : vector<256x196xi32>
    %ne3A_79 = arith.constant 0 : i32
    %ne3A_80 = vector.broadcast %ne3A_79 : i32 to vector<256x196xi32>
    %ne3A_81 = arith.cmpi ne, %rem3A_78, %ne3A_80 : vector<256x196xi32>
    %lt3A = arith.constant 0 : i32
    %lt3A_82 = vector.broadcast %lt3A : i32 to vector<256x196xi32>
    %lt3A_83 = arith.cmpi slt, %rem3A_78, %lt3A_82 : vector<256x196xi32>
    %lt3A_84 = arith.constant 0 : i32
    %lt3A_85 = arith.cmpi slt, %select_n3A_76, %lt3A_84 : i32
    %ne3A_86 = vector.broadcast %lt3A_85 : i1 to vector<256x196xi1>
    %ne3A_87 = vector.broadcast %ne3A_86 : vector<256x196xi1> to vector<256x196xi1>
    %ne3A_88 = arith.xori %lt3A_83, %ne3A_87 : vector<256x196xi1>
    %and3A_89 = arith.andi %ne3A_88, %ne3A_81 : vector<256x196xi1>
    %add3A = vector.broadcast %select_n3A_76 : i32 to vector<256x196xi32>
    %add3A_90 = arith.addi %rem3A_78, %add3A : vector<256x196xi32>
    %select_n3A_91 = arith.select %and3A_89, %add3A_90, %rem3A_78 : vector<256x196xi1>, vector<256x196xi32>
    %jit3A_92 = arith.constant 4 : i32
    %eq3A_93 = arith.constant 0 : i32
    %eq3A_94 = arith.cmpi eq, %jit3A_92, %eq3A_93 : i32
    %jit3A_95 = arith.constant 1 : i32
    %select_n3A_96 = arith.select %eq3A_94, %jit3A_95, %jit3A_92 : i32
    %rem3A_97 = vector.broadcast %select_n3A_96 : i32 to vector<256x196xi32>
    %rem3A_98 = arith.remsi %iota3A, %rem3A_97 : vector<256x196xi32>
    %ne3A_99 = arith.constant 0 : i32
    %ne3A_100 = vector.broadcast %ne3A_99 : i32 to vector<256x196xi32>
    %ne3A_101 = arith.cmpi ne, %rem3A_98, %ne3A_100 : vector<256x196xi32>
    %lt3A_102 = arith.constant 0 : i32
    %lt3A_103 = vector.broadcast %lt3A_102 : i32 to vector<256x196xi32>
    %lt3A_104 = arith.cmpi slt, %rem3A_98, %lt3A_103 : vector<256x196xi32>
    %lt3A_105 = arith.constant 0 : i32
    %lt3A_106 = arith.cmpi slt, %select_n3A_96, %lt3A_105 : i32
    %ne3A_107 = vector.broadcast %lt3A_106 : i1 to vector<256x196xi1>
    %ne3A_108 = vector.broadcast %ne3A_107 : vector<256x196xi1> to vector<256x196xi1>
    %ne3A_109 = arith.xori %lt3A_104, %ne3A_108 : vector<256x196xi1>
    %and3A_110 = arith.andi %ne3A_109, %ne3A_101 : vector<256x196xi1>
    %add3A_111 = vector.broadcast %select_n3A_96 : i32 to vector<256x196xi32>
    %add3A_112 = arith.addi %rem3A_98, %add3A_111 : vector<256x196xi32>
    %select_n3A_113 = arith.select %and3A_110, %add3A_112, %rem3A_98 : vector<256x196xi1>, vector<256x196xi32>
    %jit3A_114 = arith.constant 2 : i32
    %div3A_115 = vector.broadcast %jit3A_114 : i32 to vector<256x196xi32>
    %div3A_116 = arith.divsi %select_n3A_113, %div3A_115 : vector<256x196xi32>
    %sign3A_117 = arith.constant 0 : i32
    %sign3A_118 = vector.broadcast %sign3A_117 : i32 to vector<256x196xi32>
    %sign3A_119 = arith.cmpi sgt, %select_n3A_113, %sign3A_118 : vector<256x196xi32>
    %sign3A_120 = arith.extui %sign3A_119 : vector<256x196xi1> to vector<256x196xi32>
    %sign3A_121 = arith.constant 0 : i32
    %sign3A_122 = vector.broadcast %sign3A_121 : i32 to vector<256x196xi32>
    %sign3A_123 = arith.cmpi slt, %select_n3A_113, %sign3A_122 : vector<256x196xi32>
    %sign3A_124 = arith.extui %sign3A_123 : vector<256x196xi1> to vector<256x196xi32>
    %sign3A_125 = arith.subi %sign3A_120, %sign3A_124 : vector<256x196xi32>
    %sign3A_126 = arith.constant 0 : i32
    %sign3A_127 = arith.cmpi sgt, %jit3A_114, %sign3A_126 : i32
    %sign3A_128 = arith.extui %sign3A_127 : i1 to i32
    %sign3A_129 = arith.constant 0 : i32
    %sign3A_130 = arith.cmpi slt, %jit3A_114, %sign3A_129 : i32
    %sign3A_131 = arith.extui %sign3A_130 : i1 to i32
    %sign3A_132 = arith.subi %sign3A_128, %sign3A_131 : i32
    %ne3A_133 = vector.broadcast %sign3A_132 : i32 to vector<256x196xi32>
    %ne3A_134 = arith.cmpi ne, %sign3A_125, %ne3A_133 : vector<256x196xi32>
    %rem3A_135 = vector.broadcast %jit3A_114 : i32 to vector<256x196xi32>
    %rem3A_136 = arith.remsi %select_n3A_113, %rem3A_135 : vector<256x196xi32>
    %ne3A_137 = arith.constant 0 : i32
    %ne3A_138 = vector.broadcast %ne3A_137 : i32 to vector<256x196xi32>
    %ne3A_139 = arith.cmpi ne, %rem3A_136, %ne3A_138 : vector<256x196xi32>
    %and3A_140 = arith.andi %ne3A_134, %ne3A_139 : vector<256x196xi1>
    %sub3A_141 = arith.constant 1 : i32
    %sub3A_142 = vector.broadcast %sub3A_141 : i32 to vector<256x196xi32>
    %sub3A_143 = arith.subi %div3A_116, %sub3A_142 : vector<256x196xi32>
    %select_n3A_144 = arith.select %and3A_140, %sub3A_143, %div3A_116 : vector<256x196xi1>, vector<256x196xi32>
    %jit3A_145 = arith.constant 2 : i32
    %eq3A_146 = arith.constant 0 : i32
    %eq3A_147 = arith.cmpi eq, %jit3A_145, %eq3A_146 : i32
    %jit3A_148 = arith.constant 1 : i32
    %select_n3A_149 = arith.select %eq3A_147, %jit3A_148, %jit3A_145 : i32
    %rem3A_150 = vector.broadcast %select_n3A_149 : i32 to vector<256x196xi32>
    %rem3A_151 = arith.remsi %select_n3A_113, %rem3A_150 : vector<256x196xi32>
    %ne3A_152 = arith.constant 0 : i32
    %ne3A_153 = vector.broadcast %ne3A_152 : i32 to vector<256x196xi32>
    %ne3A_154 = arith.cmpi ne, %rem3A_151, %ne3A_153 : vector<256x196xi32>
    %lt3A_155 = arith.constant 0 : i32
    %lt3A_156 = vector.broadcast %lt3A_155 : i32 to vector<256x196xi32>
    %lt3A_157 = arith.cmpi slt, %rem3A_151, %lt3A_156 : vector<256x196xi32>
    %lt3A_158 = arith.constant 0 : i32
    %lt3A_159 = arith.cmpi slt, %select_n3A_149, %lt3A_158 : i32
    %ne3A_160 = vector.broadcast %lt3A_159 : i1 to vector<256x196xi1>
    %ne3A_161 = vector.broadcast %ne3A_160 : vector<256x196xi1> to vector<256x196xi1>
    %ne3A_162 = arith.xori %lt3A_157, %ne3A_161 : vector<256x196xi1>
    %and3A_163 = arith.andi %ne3A_162, %ne3A_154 : vector<256x196xi1>
    %add3A_164 = vector.broadcast %select_n3A_149 : i32 to vector<256x196xi32>
    %add3A_165 = arith.addi %rem3A_151, %add3A_164 : vector<256x196xi32>
    %select_n3A_166 = arith.select %and3A_163, %add3A_165, %rem3A_151 : vector<256x196xi1>, vector<256x196xi32>
    %convert_element_type3A = arith.sitofp %select_n3A : vector<256x196xi32> to vector<256x196xf32>
    %div3A_167 = arith.constant 6.000000e+00 : f32
    %div3A_168 = vector.broadcast %div3A_167 : f32 to vector<256x196xf32>
    %div3A_169 = arith.divf %convert_element_type3A, %div3A_168 : vector<256x196xf32>
    %convert_element_type3A_170 = arith.sitofp %select_n3A_91 : vector<256x196xi32> to vector<256x196xf32>
    %div3A_171 = arith.constant 6.000000e+00 : f32
    %div3A_172 = vector.broadcast %div3A_171 : f32 to vector<256x196xf32>
    %div3A_173 = arith.divf %convert_element_type3A_170, %div3A_172 : vector<256x196xf32>
    %mul3A = arith.constant 5.110000e+02 : f32
    %mul3A_174 = vector.broadcast %mul3A : f32 to vector<256x1xf32>
    %mul3A_175 = arith.mulf %div3A_13, %mul3A_174 : vector<256x1xf32>
    %sub3A_176 = arith.subf %div3A_17, %div3A_13 : vector<256x1xf32>
    %mul3A_177 = arith.constant 5.110000e+02 : f32
    %mul3A_178 = vector.broadcast %mul3A_177 : f32 to vector<256x1xf32>
    %mul3A_179 = arith.mulf %sub3A_176, %mul3A_178 : vector<256x1xf32>
    %mul3A_180 = vector.broadcast %mul3A_179 : vector<256x1xf32> to vector<256x196xf32>
    %mul3A_181 = arith.mulf %div3A_169, %mul3A_180 : vector<256x196xf32>
    %add3A_182 = vector.broadcast %mul3A_175 : vector<256x1xf32> to vector<256x196xf32>
    %add3A_183 = arith.addf %add3A_182, %mul3A_181 : vector<256x196xf32>
    %mul3A_184 = arith.constant 5.110000e+02 : f32
    %mul3A_185 = vector.broadcast %mul3A_184 : f32 to vector<256x1xf32>
    %mul3A_186 = arith.mulf %div3A_11, %mul3A_185 : vector<256x1xf32>
    %sub3A_187 = arith.subf %div3A_15, %div3A_11 : vector<256x1xf32>
    %mul3A_188 = arith.constant 5.110000e+02 : f32
    %mul3A_189 = vector.broadcast %mul3A_188 : f32 to vector<256x1xf32>
    %mul3A_190 = arith.mulf %sub3A_187, %mul3A_189 : vector<256x1xf32>
    %mul3A_191 = vector.broadcast %mul3A_190 : vector<256x1xf32> to vector<256x196xf32>
    %mul3A_192 = arith.mulf %div3A_173, %mul3A_191 : vector<256x196xf32>
    %add3A_193 = vector.broadcast %mul3A_186 : vector<256x1xf32> to vector<256x196xf32>
    %add3A_194 = arith.addf %add3A_193, %mul3A_192 : vector<256x196xf32>
    %floor3A = math.floor %add3A_183 : vector<256x196xf32>
    %floor3A_195 = math.floor %add3A_194 : vector<256x196xf32>
    %sub3A_196 = arith.subf %add3A_183, %floor3A : vector<256x196xf32>
    %sub3A_197 = arith.subf %add3A_194, %floor3A_195 : vector<256x196xf32>
    %jit3A_198 = arith.constant 0.000000e+00 : f32
    %jit3A_199 = arith.constant 5.110000e+02 : f32
    %max3A = vector.broadcast %jit3A_198 : f32 to vector<256x196xf32>
    %max3A_200 = arith.maximumf %max3A, %floor3A : vector<256x196xf32>
    %min3A = vector.broadcast %jit3A_199 : f32 to vector<256x196xf32>
    %min3A_201 = arith.minimumf %min3A, %max3A_200 : vector<256x196xf32>
    %convert_element_type3A_202 = arith.fptosi %min3A_201 : vector<256x196xf32> to vector<256x196xi32>
    %add3A_203 = arith.constant 1.000000e+00 : f32
    %add3A_204 = vector.broadcast %add3A_203 : f32 to vector<256x196xf32>
    %add3A_205 = arith.addf %floor3A, %add3A_204 : vector<256x196xf32>
    %jit3A_206 = arith.constant 0.000000e+00 : f32
    %jit3A_207 = arith.constant 5.110000e+02 : f32
    %max3A_208 = vector.broadcast %jit3A_206 : f32 to vector<256x196xf32>
    %max3A_209 = arith.maximumf %max3A_208, %add3A_205 : vector<256x196xf32>
    %min3A_210 = vector.broadcast %jit3A_207 : f32 to vector<256x196xf32>
    %min3A_211 = arith.minimumf %min3A_210, %max3A_209 : vector<256x196xf32>
    %convert_element_type3A_212 = arith.fptosi %min3A_211 : vector<256x196xf32> to vector<256x196xi32>
    %jit3A_213 = arith.constant 0.000000e+00 : f32
    %jit3A_214 = arith.constant 5.110000e+02 : f32
    %max3A_215 = vector.broadcast %jit3A_213 : f32 to vector<256x196xf32>
    %max3A_216 = arith.maximumf %max3A_215, %floor3A_195 : vector<256x196xf32>
    %min3A_217 = vector.broadcast %jit3A_214 : f32 to vector<256x196xf32>
    %min3A_218 = arith.minimumf %min3A_217, %max3A_216 : vector<256x196xf32>
    %convert_element_type3A_219 = arith.fptosi %min3A_218 : vector<256x196xf32> to vector<256x196xi32>
    %add3A_220 = arith.constant 1.000000e+00 : f32
    %add3A_221 = vector.broadcast %add3A_220 : f32 to vector<256x196xf32>
    %add3A_222 = arith.addf %floor3A_195, %add3A_221 : vector<256x196xf32>
    %jit3A_223 = arith.constant 0.000000e+00 : f32
    %jit3A_224 = arith.constant 5.110000e+02 : f32
    %max3A_225 = vector.broadcast %jit3A_223 : f32 to vector<256x196xf32>
    %max3A_226 = arith.maximumf %max3A_225, %add3A_222 : vector<256x196xf32>
    %min3A_227 = vector.broadcast %jit3A_224 : f32 to vector<256x196xf32>
    %min3A_228 = arith.minimumf %min3A_227, %max3A_226 : vector<256x196xf32>
    %convert_element_type3A_229 = arith.fptosi %min3A_228 : vector<256x196xf32> to vector<256x196xi32>
    %ge3A = arith.constant 0.000000e+00 : f32
    %ge3A_230 = vector.broadcast %ge3A : f32 to vector<256x196xf32>
    %ge3A_231 = arith.cmpf oge, %add3A_183, %ge3A_230 : vector<256x196xf32>
    %le3A = arith.constant 5.110000e+02 : f32
    %le3A_232 = vector.broadcast %le3A : f32 to vector<256x196xf32>
    %le3A_233 = arith.cmpf ole, %add3A_183, %le3A_232 : vector<256x196xf32>
    %and3A_234 = arith.andi %ge3A_231, %le3A_233 : vector<256x196xi1>
    %ge3A_235 = arith.constant 0.000000e+00 : f32
    %ge3A_236 = vector.broadcast %ge3A_235 : f32 to vector<256x196xf32>
    %ge3A_237 = arith.cmpf oge, %add3A_194, %ge3A_236 : vector<256x196xf32>
    %and3A_238 = arith.andi %and3A_234, %ge3A_237 : vector<256x196xi1>
    %le3A_239 = arith.constant 5.110000e+02 : f32
    %le3A_240 = vector.broadcast %le3A_239 : f32 to vector<256x196xf32>
    %le3A_241 = arith.cmpf ole, %add3A_194, %le3A_240 : vector<256x196xf32>
    %and3A_242 = arith.andi %and3A_238, %le3A_241 : vector<256x196xi1>
    %eq3A_243 = arith.constant 0 : i32
    %eq3A_244 = vector.broadcast %eq3A_243 : i32 to vector<256x196xi32>
    %eq3A_245 = arith.cmpi eq, %select_n3A_144, %eq3A_244 : vector<256x196xi32>
    %select_n3A_246 = arith.select %eq3A_245, %convert_element_type3A_202, %convert_element_type3A_212 : vector<256x196xi1>, vector<256x196xi32>
    %eq3A_247 = arith.constant 0 : i32
    %eq3A_248 = vector.broadcast %eq3A_247 : i32 to vector<256x196xi32>
    %eq3A_249 = arith.cmpi eq, %select_n3A_144, %eq3A_248 : vector<256x196xi32>
    %sub3A_250 = arith.constant 1.000000e+00 : f32
    %sub3A_251 = vector.broadcast %sub3A_250 : f32 to vector<256x196xf32>
    %sub3A_252 = arith.subf %sub3A_251, %sub3A_196 : vector<256x196xf32>
    %select_n3A_253 = arith.select %eq3A_249, %sub3A_252, %sub3A_196 : vector<256x196xi1>, vector<256x196xf32>
    %eq3A_254 = arith.constant 0 : i32
    %eq3A_255 = vector.broadcast %eq3A_254 : i32 to vector<256x196xi32>
    %eq3A_256 = arith.cmpi eq, %select_n3A_166, %eq3A_255 : vector<256x196xi32>
    %select_n3A_257 = arith.select %eq3A_256, %convert_element_type3A_219, %convert_element_type3A_229 : vector<256x196xi1>, vector<256x196xi32>
    %eq3A_258 = arith.constant 0 : i32
    %eq3A_259 = vector.broadcast %eq3A_258 : i32 to vector<256x196xi32>
    %eq3A_260 = arith.cmpi eq, %select_n3A_166, %eq3A_259 : vector<256x196xi32>
    %sub3A_261 = arith.constant 1.000000e+00 : f32
    %sub3A_262 = vector.broadcast %sub3A_261 : f32 to vector<256x196xf32>
    %sub3A_263 = arith.subf %sub3A_262, %sub3A_197 : vector<256x196xf32>
    %select_n3A_264 = arith.select %eq3A_260, %sub3A_263, %sub3A_197 : vector<256x196xi1>, vector<256x196xf32>
    %mul3A_265 = arith.constant 512 : i32
    %mul3A_266 = vector.broadcast %mul3A_265 : i32 to vector<256x196xi32>
    %mul3A_267 = arith.muli %select_n3A_246, %mul3A_266 : vector<256x196xi32>
    %add3A_268 = arith.addi %mul3A_267, %select_n3A_257 : vector<256x196xi32>
    %swap3A = arith.constant 0 : index
    %swap3A_269 = arith.constant 0 : index
    %swap3A_270 = vector.load %arg3[%swap3A, %swap3A_269] : memref<256x196xi32, #tpu.memory_space<vmem>>, vector<256x196xi32>
    tpu.vector_store %arg3[%swap3A, %swap3A_269], %add3A_268 {strides = array<i32>} : memref<256x196xi32, #tpu.memory_space<vmem>>, vector<256x196xi32>,
    %mul3A_271 = arith.mulf %select_n3A_253, %select_n3A_264 : vector<256x196xf32>
    %jit3A_272 = arith.constant 0.000000e+00 : f32
    %broadcast_in_dim3A = vector.broadcast %jit3A_272 : f32 to vector<256x196xf32>
    %select_n3A_273 = arith.select %and3A_242, %mul3A_271, %broadcast_in_dim3A : vector<256x196xi1>, vector<256x196xf32>
    %swap3A_274 = arith.constant 0 : index
    %swap3A_275 = arith.constant 0 : index
    %swap3A_276 = vector.load %arg4[%swap3A_274, %swap3A_275] : memref<256x196xf32, #tpu.memory_space<vmem>>, vector<256x196xf32>
    tpu.vector_store %arg4[%swap3A_274, %swap3A_275], %select_n3A_273 {strides = array<i32>} : memref<256x196xf32, #tpu.memory_space<vmem>>, vector<256x196xf32>,
    return
  }
  func.func @transform_0(%arg0: i32) -> (i32, i32) {
    %c0_i32 = arith.constant 0 : i32
    %c0_i32_0 = arith.constant 0 : i32
    return %arg0, %c0_i32 : i32, i32
  }
  func.func @transform_1(%arg0: i32) -> (i32, i32) {
    %c0_i32 = arith.constant 0 : i32
    %c0_i32_0 = arith.constant 0 : i32
    %c0_i32_1 = arith.constant 0 : i32
    return %c0_i32, %c0_i32_0 : i32, i32
  }
  func.func @transform_2(%arg0: i32) -> (i32, i32) {
    %c0_i32 = arith.constant 0 : i32
    %c0_i32_0 = arith.constant 0 : i32
    return %arg0, %c0_i32 : i32, i32
  }
  func.func @transform_3(%arg0: i32) -> (i32, i32) {
    %c0_i32 = arith.constant 0 : i32
    %c0_i32_0 = arith.constant 0 : i32
    return %arg0, %c0_i32 : i32, i32
  }
}

</mosaic_0001>

<sc_bundles>
// kernel: kernel.4.cloned.1.call-start
scs
__scs_entry_jumppad:
0x0: {  	(pc) =	sbr.rel $0x88, $3  }
0x1: {  	(tag) =	ssettag $0x0;
	lr =	simm.s32 $0x1  }
0x2: {  	[smem:$0x3F9E] =	sst lr;
	_ =	strace $0xD0000000  }
0x3: {  	_ = 	snop  }
0x4: {  	_ = 	snop  }
0x5: {  	_ = 	snop  }
0x6: {  	_ = 	snop  }
0x7: {  	_ = 	snop  }
__scs_overlays_trampoline_lowered:
0x8: {  	[smem:$0x3FAD] =	sst s0  }
0x9: {  	[smem:$0x3FAE] =	sst s1  }
0xa: {  	[smem:$0x3FAF] =	sst s2  }
0xb: {  	[smem:$0x3FB0] =	sst s3  }
0xc: {  	[smem:$0x3FB1] =	sst s4  }
0xd: {  	[smem:$0x3FB2] =	sst s5  }
0xe: {  	[smem:$0x3FB3] =	sst s6  }
0xf: {  	[smem:$0x3FB4] =	sst s7  }
0x10: {  	[smem:$0x3FB5] =	sst s8  }
0x11: {  	[smem:$0x3FB6] =	sst s9;
	s0 =	simm.s32 @!p0 $0x0  }
0x12: {  	s1 =	sld [smem:$0x3F9C];
	s0 =	simm.s32 @p0 $0x1  }
0x13: {  	[smem:$0x3FB7] =	sst s0;
	s0 =	simm.s32 @!p1 $0x0  }
0x14: {  	s2 =	sld [smem:$0x3F9B];
	s0 =	simm.s32 @p1 $0x1  }
0x15: {  	[smem:$0x3FB8] =	sst s0;
	s0 =	simm.s32 @!p2 $0x0  }
0x16: {  	s3 =	sld [smem:$0x3FDB];
	s0 =	simm.s32 @p2 $0x1  }
0x17: {  	s4 =	simm.s32 $0x1BF5;
	[smem:$0x3FBA] =	sst s0  }
0x18: {  	s0 =	sld [smem:$0x3F9D];
	_ =	swait.ge [sflag:s4], $0x0  }
0x19: {  	s7 =	sld [smem:$0x3F9E]  }
0x1a: {  	s8 =	sadd.s32 $0xFFFFE003, lr  }
0x1b: {  	s9 =	sadd.s32 $0xFFFFFEF7, lr;
	s5 =	simm.s32 $0xFFFFFFFF;
	p2 =	slt.u32 s8, $0xFFFFF086  }
0x1c: {  	p1 =	slt.u32 s9, $0xF7A;
	s5 =	simm.s32 @!p2 $0x0  }
0x1d: {  	s5 =	simm.s32 @p1 $0x1;
	p0 =	seq.s32 s7, s2  }
0x1e: {  	s7 =	smul.u32 @!p0 $0xF7A, s2;
	p2 =	seq.s32 @!p0 s5, $0x0  }
0x1f: {  	s9 =	smul.u32 $0xF7A, s1;
	s8 =	simm.s32 @!p0 $0x1BF5;
	p2 =	por !p2, p0  }
0x20: {  	[sflag:s8] =	ssyncset.s32 @!p0 $0xFFFFF086;
	s6 =	sadd.s32 @!p0 s3, s7;
	s7 =	simm.s32 @!p0 $0x108  }
0x21: {  	s3 =	sadd.s32 s3, s9;
	s6 =	sadd.s32 @!p0 $0x88, s6;
	s7 =	simm.s32 @p2 $0x1082  }
0x22: {  	[simem:s7], [sflag:s8] =	dma.local @!p0 [hbm:s6], $0xF7A  }
0x23: {  	s9 =	sor.u32 $0xD0000000, s2;
	s6 =	simm.s32 $0x108;
	_ =	swait.ge @!p0 [sflag:s8], $0x0  }
0x24: {  	s3 =	sadd.s32 $0x88, s3;
	s6 =	simm.s32 @!p1 $0x1082;
	[sflag:s4] =	ssyncset.s32 $0xFFFFF086  }
0x25: {  	[simem:s6], [sflag:s4] =	dma.local [hbm:s3], $0xF7A  }
0x26: {  	[smem:$0x3F9E] =	sst s1;
	(tag) =	ssettag s2;
	_ =	strace s9  }
0x27: {  	s1 =	sld [smem:$0x3FAE]  }
0x28: {  	s2 =	sld [smem:$0x3FAF]  }
0x29: {  	s4 =	sld [smem:$0x3FB1]  }
0x2a: {  	p0 =	seq.s32 s5, $0x0;
	s5 =	sld [smem:$0x3FB2]  }
0x2b: {  	s6 =	sld [smem:$0x3FB3]  }
0x2c: {  	s7 =	sld [smem:$0x3FB4]  }
0x2d: {  	s3 =	simm.s32 $0x108;
	s8 =	sld [smem:$0x3FB5]  }
0x2e: {  	s3 =	simm.s32 @!p0 $0x1082;
	s9 =	sld [smem:$0x3FB6]  }
0x2f: {  	lr =	sadd.s32 s0, s3;
	s0 =	sld [smem:$0x3FAD]  }
0x30: {  	s3 =	sld [smem:$0x3FB0]  }
0x31: {  	[smem:$0x3FB9] =	sst s10  }
0x32: {  	s10 =	sld [smem:$0x3FB7];
	_ =	sdelay $0x3  }
0x33: {  	p0 =	seq.s32 s10, $0x1;
	s10 =	sld [smem:$0x3FB9];
	_ =	sdelay $0x3  }
0x34: {  	[smem:$0x3FB9] =	sst s10  }
0x35: {  	s10 =	sld [smem:$0x3FB8];
	_ =	sdelay $0x3  }
0x36: {  	p1 =	seq.s32 s10, $0x1;
	s10 =	sld [smem:$0x3FB9];
	_ =	sdelay $0x3  }
0x37: {  	[smem:$0x3FB9] =	sst s10  }
0x38: {  	s10 =	sld [smem:$0x3FBA]  }
0x39: {  	_ = 	snop;
	(pc) =	sbr.ind lr, $3  }
0x3a: {  	_ = 	snop  }
0x3b: {  	_ = 	snop  }
0x3c: {  	p2 =	seq.s32 s10, $0x1;
	s10 =	sld [smem:$0x3FB9]  }
0x3d: {  	_ =	shalt  }
0x3e: {  	_ =	shalt  }
0x3f: {  	_ =	shalt  }
0x40: {  	_ =	shalt  }
0x41: {  	_ =	shalt  }
0x42: {  	_ =	shalt  }
0x43: {  	_ =	shalt  }
0x44: {  	_ =	shalt  }
0x45: {  	_ =	shalt  }
0x46: {  	_ =	shalt  }
0x47: {  	_ =	shalt  }
0x48: {  	_ =	shalt  }
0x49: {  	_ =	shalt  }
0x4a: {  	_ =	shalt  }
0x4b: {  	_ =	shalt  }
0x4c: {  	_ =	shalt  }
0x4d: {  	_ =	shalt  }
0x4e: {  	_ =	shalt  }
0x4f: {  	_ =	shalt  }
0x50: {  	_ =	shalt  }
0x51: {  	_ =	shalt  }
0x52: {  	_ =	shalt  }
0x53: {  	_ =	shalt  }
0x54: {  	_ =	shalt  }
0x55: {  	_ =	shalt  }
0x56: {  	_ =	shalt  }
0x57: {  	_ =	shalt  }
0x58: {  	_ =	shalt  }
0x59: {  	_ =	shalt  }
0x5a: {  	_ =	shalt  }
0x5b: {  	_ =	shalt  }
0x5c: {  	_ =	shalt  }
0x5d: {  	_ =	shalt  }
0x5e: {  	_ =	shalt  }
0x5f: {  	_ =	shalt  }
0x60: {  	_ =	shalt  }
0x61: {  	_ =	shalt  }
0x62: {  	_ =	shalt  }
0x63: {  	_ =	shalt  }
0x64: {  	_ =	shalt  }
0x65: {  	_ =	shalt  }
0x66: {  	_ =	shalt  }
0x67: {  	_ =	shalt  }
0x68: {  	_ =	shalt  }
0x69: {  	_ =	shalt  }
0x6a: {  	_ =	shalt  }
0x6b: {  	_ =	shalt  }
0x6c: {  	_ =	shalt  }
0x6d: {  	_ =	shalt  }
0x6e: {  	_ =	shalt  }
0x6f: {  	_ =	shalt  }
0x70: {  	_ =	shalt  }
0x71: {  	_ =	shalt  }
0x72: {  	_ =	shalt  }
0x73: {  	_ =	shalt  }
0x74: {  	_ =	shalt  }
0x75: {  	_ =	shalt  }
0x76: {  	_ =	shalt  }
0x77: {  	_ =	shalt  }
0x78: {  	_ =	shalt  }
0x79: {  	_ =	shalt  }
0x7a: {  	_ =	shalt  }
0x7b: {  	_ =	shalt  }
0x7c: {  	_ =	shalt  }
0x7d: {  	_ =	shalt  }
0x7e: {  	_ =	shalt  }
0x7f: {  	_ =	shalt  }
0x80: {  	_ =	shalt  }
0x81: {  	_ =	shalt  }
0x82: {  	_ =	shalt  }
0x83: {  	_ =	shalt  }
0x84: {  	_ =	shalt  }
0x85: {  	_ =	shalt  }
0x86: {  	_ =	shalt  }
0x87: {  	_ =	shalt  }
.Lfunc_end0:
.L_simem_size_0:
called_computation.1_lowered:
.L_overlay_start_0:
0x88: {  	s2 =	sld [smem:$0x3FD9]  }
0x89: {  	s3 =	sld [smem:$0x3FFE];
	_ =	sdelay $0x1  }
0x8a: {  	s1 =	srdreg.scid  }
0x8b: {  	s0 =	sand.u32 $0x1, s1  }
0x8c: {  	s17 =	sshll.u32 s0, $0xA;
	s2 =	sadd.s32 s3, s2  }
0x8d: {  	s2 =	sadd.s32 s2, s17  }
0x8e: {  	[smem:$0x3FC5] =	sst s2  }
0x8f: {  	_ = 	snop  }
0x90: {  	s2 =	sld [smem:$0x3FD0];
	(tm) =	ssettm $0x1  }
0x91: {  	s18 =	sld [smem:$0x3FFB];
	_ =	sdelay $0x3  }
0x92: {  	_ =	strace s18  }
0x93: {  	s3 =	sld [smem:$0x3FFC];
	_ =	sdelay $0x3  }
0x94: {  	_ =	strace s3  }
0x95: {  	s3 =	sld [smem:$0x3FFD];
	_ =	sdelay $0x3  }
0x96: {  	_ =	strace s3  }
0x97: {  	_ =	strace $0x8FFFFFFF  }
0x98: {  	s19 =	sld [smem:$0x3FDB];
	_ =	sdelay $0x1  }
0x99: {  	s4 =	simm.s32 $_scs_section_size  }
0x9a: {  	s5 =	simm.s32 $_size__tile_overlayer_lowered;
	s6 =	simm.s32 $_tile_overlayer_lowered  }
0x9b: {  	s22 =	simm.s32 $0x1BFF;
	s21 =	sshll.u32 s6, $0x1;
	s3 =	sadd.s32 s4, s19  }
0x9c: {  	s7 =	simm.s32 $0x0;
	s20 =	sshll.u32 s5, $0x1;
	s5 =	sadd.s32 s21, s3  }
0x9d: {  	[timem:s7], [sflag:s22] =	dma.local [hbm:s5], s20  }
0x9e: {  	_ =	swait.ge [sflag:s22], s20  }
0x9f: {  	s4 =	ssub.s32 $0x0, s20;
	[sflag:s22] =	ssyncset.done $0x0  }
0xa0: {  	[sflag:s22] =	ssyncadd.s32 s4;
	_ =	sdelay $0x1  }
0xa1: {  	s23 =	simm.s32 $0x1B8B  }
0xa2: {  	_ =	swait.ge [sflag:s23], $0x1  }
0xa3: {  	[sflag:s23] =	ssyncset.done $0x0  }
0xa4: {  	s25 =	simm.s32 $0x1B8E;
	s24 =	sld [smem:$0x3FFE];
	[sflag:s23] =	ssyncadd.s32 $0xFFFFFFFF  }
0xa5: {  	s26 =	simm.s32 $execute0_lowered;
	[smem:$0x3FD2] =	sst s25  }
0xa6: {  	s5 =	sshll.u32 s26, $0x1;
	_ =	strace $0x80000046;
	[dreg:$0x1] =	wrdreg $0xFFFFFFFF  }
0xa7: {  	s28 =	simm.s32 $_size_execute0_lowered;
	s3 =	sadd.s32 s3, s5;
	[dreg:$0x0] =	wrdreg $0x0  }
0xa8: {  	s5 =	sshll.u32 s28, $0x1;
	[dreg:$0x2] =	wrdreg s3  }
0xa9: {  	[dreg:$0x3] =	wrdreg s5  }
0xaa: {  	[dreg:$0x4] =	wrdreg $0xC0  }
0xab: {  	_ =	task [dreg:s7], $0x5FFFF  }
0xac: {  	[dreg:$0x1] =	wrdreg $0xFFFFFFFF  }
0xad: {  	[dreg:$0x0] =	wrdreg $0x60  }
0xae: {  	[dreg:$0x2] =	wrdreg s24  }
0xaf: {  	[dreg:$0x3] =	wrdreg s2  }
0xb0: {  	[dreg:$0x4] =	wrdreg $0x9  }
0xb1: {  	_ =	task.clear_ibuf [dreg:s7], $0x5FFFF;
	_ =	strace $0x90000046  }
0xb2: {  	s29 =	simm.s32 $0x9;
	_ =	strace $0x80000048  }
0xb3: {  	_ =	swait.ge [sflag:s29], $0x1  }
0xb4: {  	[sflag:s29] =	ssyncadd.s32 $0xFFFFFFFF  }
0xb5: {  	_ =	strace $0x90000048  }
0xb6: {  	_ =	sfence  }
0xb7: {  	s30 =	sld [smem:$0x0];
	_ =	sdelay $0x2  }
0xb8: {  	s31 =	sshll.u32 s1, $0xD;
	s1 =	sshrl.u32 s1, $0x2  }
0xb9: {  	s3 =	sand.u32 $0x4000, s31;
	s1 =	sadd.s32 s1, s30  }
0xba: {  	s0 =	sor.u32 s3, s0;
	s1 =	sshll.u32 s1, $0x11  }
0xbb: {  	s0 =	sor.u32 s1, s0  }
0xbc: {  	s0 =	sadd.s32 $0x8F2B, s0  }
0xbd: {  	[sflag:s0] =	ssyncadd.remote.s32 $0x1  }
0xbe: {  	_ =	sfence.sel $0xFFFF  }
0xbf: {  	[dreg:$0x0] =	wrdreg $0xFFFFFFFF;
	(pc) =	sbr.abs _section_cstart, $3  }
0xc0: {  	[dreg:$0x1] =	wrdreg $0xFFFFFFFF  }
0xc1: {  	_ =	task.clear_ibuf [dreg:s7], $0x2FFFF;
	_ =	strace $0x9FFFFFFF  }
0xc2: {  	(tm) =	ssettm $0x7FFFFFFF  }
0xc3: {  	_ =	shalt  }
tec
execute0_lowered:
.L_overlay_start_1:
0x0: {  	(tag) =	ssettag $0x1  }
0x1: {  	s6 =	rddreg [dreg:$0x0]  }
0x2: {  	s1 =	rddreg [dreg:$0x1]  }
0x3: {  	s0 =	rddreg [dreg:$0x2]  }
0x4: {  	s3 =	simm.s32 $0x0;
	s4 =	srdreg.scid;
	s2 =	stileid.u32  }
0x5: {  	s11 =	simm.s32 $0x80;
	s12 =	simm.s32 $0x500;
	s13 =	simm.s32 $0x3500  }
0x6: {  	s14 =	simm.s32 $0x100;
	s15 =	simm.s32 $0x6500;
	s16 =	simm.s32 $0x180  }
0x7: {  	s17 =	simm.s32 $0x9500;
	s18 =	simm.s32 $0x200;
	s19 =	simm.s32 $0xC500  }
0x8: {  	s20 =	simm.s32 $0x1;
	s21 =	simm.s32 $0xF500;
	s22 =	simm.s32 $0x0  }
0x9: {  	[smem:$0x7FF] =	sst s3;
	s7 =	sand.u32 $0x1, s4;
	s4 =	sadd.s32 $0x43DE00, s6  }
0xa: {  	s9 =	sshll.u32 s2, $0x1;
	s5 =	sadd.s32 $0xA00, s6;
	s8 =	ssub.s32 $0x2, s7  }
0xb: {  	v0 =	vlaneseq.u32;
	s6 =	sadd.s32 $0x1F400, s6;
	_ =	strace $0x80000047;
	s10 =	sshrl.u32 s8, $0x1  }
0xc: {  	v1 =	vor.u32 $0x10, v0;
	v2 =	vor.u32 $0x20, v0;
	s7 =	sor.u32 s7, s9;
	s9 =	simm.s32 $0x2;
	s8 =	ssub.s32 s8, s10  }
0xd: {  	v3 =	vor.u32 $0x30, v0;
	v4 =	vor.u32 $0x40, v0;
	v5 =	vor.u32 $0x50, v0;
	s7 =	smul.u32 $0x1EA0, s7;
	s10 =	simm.s32 $0x280;
	s8 =	smax.u32 s8, $0x1  }
.LBB2_1:
0xe: {  	s23 =	simm.s32 $0x0  }
.LBB2_2:
0xf: {  	s24 =	smul.u32 $0xA0, s23;
	_ =	sdelay $0x1  }
0x10: {  	s24 =	sadd.s32 s7, s24  }
0x11: {  	s25 =	sshrl.u32 s24, $0x1  }
0x12: {  	s28 =	simm.s32 $0x0;
	s26 =	sadd.s32 s5, s25  }
0x13: {  	[tilespmem:s28], [sflag:$0x2] =	stream.linear.gather [hbm4b:s26+s28], $0x280, $0x38;
	[tilespmem:$0x13100] =	vst v63  }
0x14: {  	_ =	swait.ge [sflag:s9], $0x280  }
0x15: {  	[sflag:s9] =	ssyncset.done $0x0  }
0x16: {  	s25 =	sadd.s32 s6, s25;
	[sflag:s9] =	ssyncadd.s32 $0xFFFFFD80  }
0x17: {  	[tilespmem:s10], [sflag:$0x2] =	stream.linear.gather [hbm4b:s25+s28], $0x280, $0x38;
	[tilespmem:$0x13100] =	vst v63  }
0x18: {  	_ =	swait.ge [sflag:s9], $0x280  }
0x19: {  	[sflag:s9] =	ssyncset.done $0x0  }
0x1a: {  	[sflag:s9] =	ssyncadd.s32 $0xFFFFFD80  }
0x1b: {  	[tilespmem:s12], [sflag:$0x1] =	stream.indirect.gather [hbm4b:s4+s11], $0x60, s28, s11, $0xb8;
	[tilespmem:$0x13100] =	vst v63  }
0x1c: {  	_ = 	snop  }
0x1d: {  	[tilespmem:s13], [sflag:$0x1] =	stream.indirect.gather [hbm4b:s4+s11], $0x60, s11, s11, $0xb8;
	[tilespmem:$0x13100] =	vst v63  }
0x1e: {  	_ = 	snop  }
0x1f: {  	[tilespmem:s15], [sflag:$0x1] =	stream.indirect.gather [hbm4b:s4+s11], $0x60, s14, s11, $0xb8;
	[tilespmem:$0x13100] =	vst v63  }
0x20: {  	_ = 	snop  }
0x21: {  	[tilespmem:s17], [sflag:$0x1] =	stream.indirect.gather [hbm4b:s4+s11], $0x60, s16, s11, $0xb8;
	[tilespmem:$0x13100] =	vst v63  }
0x22: {  	_ = 	snop  }
0x23: {  	[tilespmem:s19], [sflag:$0x1] =	stream.indirect.gather [hbm4b:s4+s11], $0x60, s18, s11, $0xb8;
	[tilespmem:$0x13100] =	vst v63  }
0x24: {  	_ =	swait.ge [sflag:s20], $0x3000  }
0x25: {  	[sflag:s20] =	ssyncset.done $0x0  }
0x26: {  	[sflag:s20] =	ssyncadd.s32 $0xFFFFD000  }
0x27: {  	_ =	swait.ge [sflag:s20], $0x3000  }
0x28: {  	[sflag:s20] =	ssyncset.done $0x0  }
0x29: {  	[sflag:s20] =	ssyncadd.s32 $0xFFFFD000  }
0x2a: {  	_ =	swait.ge [sflag:s20], $0x3000  }
0x2b: {  	[sflag:s20] =	ssyncset.done $0x0  }
0x2c: {  	v8 =	vmov s28;
	[sflag:s20] =	ssyncadd.s32 $0xFFFFD000  }
0x2d: {  	v7 =	vmul.u32 $0x60, v8;
	s25 =	simm.s32 $0x1;
	_ =	swait.ge [sflag:s20], $0x3000  }
0x2e: {  	v9 =	vmov s25;
	[sflag:s20] =	ssyncset.done $0x0  }
0x2f: {  	s30 =	simm.s32 $0x2;
	v10 =	vor.u32 v0, v7;
	v6 =	vmul.u32 $0x60, v9;
	[sflag:s20] =	ssyncadd.s32 $0xFFFFD000  }
0x30: {  	s31 =	simm.s32 $0x3;
	v14 =	vmov s30;
	_ =	swait.ge [sflag:s20], $0x3000  }
0x31: {  	v16 =	vmov s31;
	v12 =	vmul.u32 $0x60, v14;
	v15 =	vor.u32 v0, v6;
	[sflag:s20] =	ssyncset.done $0x0  }
0x32: {  	v13 =	vmul.u32 $0x60, v16;
	[sflag:s20] =	ssyncadd.s32 $0xFFFFD000  }
0x33: {  	v17 =	vor.u32 v0, v12;
	v8 =	vld.idx.msk [tilespmem:v8+s10+$0x0], $0xffff  }
0x34: {  	v19 =	vor.u32 v0, v13;
	v18 =	vld.idx.msk [tilespmem:v10+s12+$0x0], $0xffff  }
0x35: {  	v11 =	vld.idx.msk [tilespmem:v9+s10+$0x0], $0xffff  }
0x36: {  	v15 =	vld.idx.msk [tilespmem:v15+s12+$0x0], $0xffff  }
0x37: {  	v10 =	vld.idx.msk [tilespmem:v14+s10+$0x0], $0xffff  }
0x38: {  	v17 =	vld.idx.msk [tilespmem:v17+s12+$0x0], $0xffff  }
0x39: {  	v19 =	vld.idx.msk [tilespmem:v19+s12+$0x0], $0xffff;
	v14 =	vmov s28  }
0x3a: {  	v9 =	vld.idx.msk [tilespmem:v16+s10+$0x0], $0xffff;
	v14 =	vmul.u32 $0x60, v14  }
0x3b: {  	v16 =	vmul.f32 v18, v8;
	v15 =	vmul.f32 v15, v11  }
0x3c: {  	v14 =	vbroadcast v14, $0x0  }
0x3d: {  	v15 =	vadd.f32 v15, v16;
	v16 =	vmul.f32 v17, v10  }
0x3e: {  	v17 =	vor.u32 v0, v14  }
0x3f: {  	v18 =	vor.u32 v1, v7;
	v15 =	vadd.f32 v16, v15;
	v16 =	vmul.f32 v19, v9  }
0x40: {  	v19 =	vor.u32 v1, v6  }
0x41: {  	v15 =	vadd.f32 v16, v15  }
0x42: {  	v16 =	vor.u32 v1, v12  }
0x43: {  	[tilespmem:v17+s21+$0x0] =	vst.idx.msk $0xffff, v15  }
0x44: {  	v17 =	vor.u32 v1, v13;
	v15 =	vld.idx.msk [tilespmem:v18+s12+$0x0], $0xffff  }
0x45: {  	v18 =	vld.idx.msk [tilespmem:v19+s12+$0x0], $0xffff;
	_ =	sdelay $0x1  }
0x46: {  	v16 =	vld.idx.msk [tilespmem:v16+s12+$0x0], $0xffff;
	_ =	sdelay $0x1  }
0x47: {  	v17 =	vld.idx.msk [tilespmem:v17+s12+$0x0], $0xffff  }
0x48: {  	v15 =	vmul.f32 v15, v8;
	v18 =	vmul.f32 v18, v11;
	_ =	sdelay $0x1  }
0x49: {  	v15 =	vadd.f32 v18, v15;
	v16 =	vmul.f32 v16, v10  }
0x4a: {  	v18 =	vor.u32 v1, v14  }
0x4b: {  	v15 =	vadd.f32 v16, v15;
	v16 =	vmul.f32 v17, v9;
	v17 =	vor.u32 v2, v7  }
0x4c: {  	v19 =	vadd.s32 v2, v6  }
0x4d: {  	v15 =	vadd.f32 v16, v15  }
0x4e: {  	v16 =	vor.u32 v2, v12  }
0x4f: {  	[tilespmem:v18+s21+$0x0] =	vst.idx.msk $0xffff, v15  }
0x50: {  	v15 =	vld.idx.msk [tilespmem:v17+s12+$0x0], $0xffff;
	v17 =	vadd.s32 v2, v13  }
0x51: {  	v18 =	vld.idx.msk [tilespmem:v19+s12+$0x0], $0xffff;
	_ =	sdelay $0x1  }
0x52: {  	v16 =	vld.idx.msk [tilespmem:v16+s12+$0x0], $0xffff;
	_ =	sdelay $0x1  }
0x53: {  	v17 =	vld.idx.msk [tilespmem:v17+s12+$0x0], $0xffff  }
0x54: {  	v15 =	vmul.f32 v15, v8;
	v18 =	vmul.f32 v18, v11;
	_ =	sdelay $0x1  }
0x55: {  	v15 =	vadd.f32 v18, v15;
	v16 =	vmul.f32 v16, v10  }
0x56: {  	v18 =	vadd.s32 v2, v14  }
0x57: {  	v15 =	vadd.f32 v16, v15;
	v16 =	vmul.f32 v17, v9;
	v17 =	vor.u32 v3, v7;
	_ =	sdelay $0x1  }
0x58: {  	v15 =	vadd.f32 v16, v15;
	v16 =	vadd.s32 v3, v6;
	_ =	sdelay $0x1  }
0x59: {  	v19 =	vor.u32 v3, v12;
	[tilespmem:v18+s21+$0x0] =	vst.idx.msk $0xffff, v15  }
0x5a: {  	v15 =	vadd.s32 v3, v13;
	v18 =	vld.idx.msk [tilespmem:v17+s12+$0x0], $0xffff;
	_ =	sdelay $0x1  }
0x5b: {  	v17 =	vld.idx.msk [tilespmem:v16+s12+$0x0], $0xffff;
	_ =	sdelay $0x1  }
0x5c: {  	v16 =	vld.idx.msk [tilespmem:v19+s12+$0x0], $0xffff  }
0x5d: {  	s26 =	simm.s32 $0x4;
	s28 =	simm.s32 $0x2;
	v15 =	vld.idx.msk [tilespmem:v15+s12+$0x0], $0xffff;
	v18 =	vmul.f32 v18, v8  }
.LBB2_3:
0x5e: {  	p0 =	sne.s32 s28, $0x9F  }
0x5f: {  	s30 =	sadd.s32 $0x1, s26;
	v17 =	vmul.f32 v17, v11;
	s29 =	smov.u32 s28;
	s28 =	sadd.s32 $0x1, s28  }
0x60: {  	v19 =	vmov s30  }
0x61: {  	v16 =	vmul.f32 v16, v10;
	v20 =	vmul.u32 $0x60, v19;
	v17 =	vadd.f32 v17, v18  }
0x62: {  	v21 =	vor.u32 v4, v7;
	v18 =	vadd.s32 v3, v14  }
0x63: {  	v15 =	vmul.f32 v15, v9;
	v22 =	vor.u32 v0, v20;
	v16 =	vadd.f32 v16, v17  }
0x64: {  	v17 =	vadd.s32 v4, v6  }
0x65: {  	v15 =	vadd.f32 v15, v16;
	v16 =	vadd.s32 v4, v12  }
0x66: {  	v23 =	vor.u32 v4, v13  }
0x67: {  	[tilespmem:v18+s21+$0x0] =	vst.idx.msk $0xffff, v15  }
0x68: {  	v15 =	vld.idx.msk [tilespmem:v21+s12+$0x0], $0xffff  }
0x69: {  	v17 =	vld.idx.msk [tilespmem:v17+s12+$0x0], $0xffff  }
0x6a: {  	v16 =	vld.idx.msk [tilespmem:v16+s12+$0x0], $0xffff  }
0x6b: {  	v18 =	vld.idx.msk [tilespmem:v23+s12+$0x0], $0xffff;
	_ =	sdelay $0x2  }
0x6c: {  	v15 =	vmul.f32 v15, v8  }
0x6d: {  	v17 =	vmul.f32 v17, v11;
	_ =	sdelay $0x1  }
0x6e: {  	v16 =	vmul.f32 v16, v10;
	v15 =	vadd.f32 v17, v15  }
0x6f: {  	v17 =	vadd.s32 v4, v14  }
0x70: {  	v7 =	vor.u32 v5, v7;
	v15 =	vadd.f32 v16, v15;
	v16 =	vmul.f32 v18, v9  }
0x71: {  	v18 =	vadd.s32 v5, v6;
	v6 =	vmov v20  }
0x72: {  	v12 =	vadd.s32 v5, v12;
	v15 =	vadd.f32 v16, v15  }
0x73: {  	v13 =	vor.u32 v5, v13  }
0x74: {  	[tilespmem:v17+s21+$0x0] =	vst.idx.msk $0xffff, v15  }
0x75: {  	v7 =	vld.idx.msk [tilespmem:v7+s12+$0x0], $0xffff  }
0x76: {  	v15 =	vld.idx.msk [tilespmem:v18+s12+$0x0], $0xffff  }
0x77: {  	v12 =	vld.idx.msk [tilespmem:v12+s12+$0x0], $0xffff  }
0x78: {  	v13 =	vld.idx.msk [tilespmem:v13+s12+$0x0], $0xffff;
	_ =	sdelay $0x2  }
0x79: {  	v7 =	vmul.f32 v7, v8  }
0x7a: {  	v8 =	vmul.f32 v15, v11;
	_ =	sdelay $0x1  }
0x7b: {  	v11 =	vmov s26;
	v10 =	vmul.f32 v12, v10;
	v8 =	vadd.f32 v8, v7  }
0x7c: {  	v14 =	vadd.s32 v5, v14;
	v7 =	vmul.u32 $0x60, v11  }
0x7d: {  	v9 =	vmul.f32 v13, v9;
	v8 =	vadd.f32 v10, v8  }
0x7e: {  	s30 =	sadd.s32 $0x2, s26;
	v10 =	vor.u32 v0, v7  }
0x7f: {  	v15 =	vmov s30;
	s30 =	sadd.s32 $0x3, s26;
	v8 =	vadd.f32 v9, v8  }
0x80: {  	v12 =	vmul.u32 $0x60, v15;
	v9 =	vmov s30  }
0x81: {  	v13 =	vmul.u32 $0x60, v9;
	[tilespmem:v14+s21+$0x0] =	vst.idx.msk $0xffff, v8  }
0x82: {  	v14 =	vor.u32 v0, v12;
	v8 =	vld.idx.msk [tilespmem:v11+s10+$0x0], $0xffff  }
0x83: {  	v17 =	vor.u32 v0, v13;
	v16 =	vld.idx.msk [tilespmem:v10+s12+$0x0], $0xffff  }
0x84: {  	v11 =	vld.idx.msk [tilespmem:v19+s10+$0x0], $0xffff  }
0x85: {  	v18 =	vld.idx.msk [tilespmem:v22+s12+$0x0], $0xffff  }
0x86: {  	v10 =	vld.idx.msk [tilespmem:v15+s10+$0x0], $0xffff  }
0x87: {  	v15 =	vld.idx.msk [tilespmem:v14+s12+$0x0], $0xffff  }
0x88: {  	v17 =	vld.idx.msk [tilespmem:v17+s12+$0x0], $0xffff  }
0x89: {  	v14 =	vmov s25;
	s25 =	smov.u32 s29;
	v9 =	vld.idx.msk [tilespmem:v9+s10+$0x0], $0xffff  }
0x8a: {  	v14 =	vmul.u32 $0x60, v14  }
0x8b: {  	v16 =	vmul.f32 v16, v8;
	v18 =	vmul.f32 v18, v11  }
0x8c: {  	v14 =	vbroadcast v14, $0x0  }
0x8d: {  	v16 =	vadd.f32 v18, v16;
	v15 =	vmul.f32 v15, v10  }
0x8e: {  	v18 =	vor.u32 v0, v14  }
0x8f: {  	v15 =	vadd.f32 v15, v16;
	v16 =	vmul.f32 v17, v9;
	v17 =	vor.u32 v1, v7  }
0x90: {  	v19 =	vor.u32 v1, v6  }
0x91: {  	v15 =	vadd.f32 v16, v15  }
0x92: {  	v16 =	vor.u32 v1, v12  }
0x93: {  	[tilespmem:v18+s21+$0x0] =	vst.idx.msk $0xffff, v15  }
0x94: {  	v15 =	vld.idx.msk [tilespmem:v17+s12+$0x0], $0xffff;
	v17 =	vor.u32 v1, v13  }
0x95: {  	v18 =	vld.idx.msk [tilespmem:v19+s12+$0x0], $0xffff;
	_ =	sdelay $0x1  }
0x96: {  	v16 =	vld.idx.msk [tilespmem:v16+s12+$0x0], $0xffff;
	_ =	sdelay $0x1  }
0x97: {  	v17 =	vld.idx.msk [tilespmem:v17+s12+$0x0], $0xffff;
	_ =	sdelay $0x1  }
0x98: {  	v15 =	vmul.f32 v15, v8;
	v18 =	vmul.f32 v18, v11;
	_ =	sdelay $0x1  }
0x99: {  	v15 =	vadd.f32 v18, v15;
	v16 =	vmul.f32 v16, v10  }
0x9a: {  	v18 =	vor.u32 v1, v14  }
0x9b: {  	v15 =	vadd.f32 v16, v15;
	v16 =	vmul.f32 v17, v9;
	v17 =	vor.u32 v2, v7  }
0x9c: {  	v19 =	vadd.s32 v2, v6  }
0x9d: {  	v15 =	vadd.f32 v16, v15  }
0x9e: {  	v16 =	vor.u32 v2, v12  }
0x9f: {  	[tilespmem:v18+s21+$0x0] =	vst.idx.msk $0xffff, v15  }
0xa0: {  	v15 =	vld.idx.msk [tilespmem:v17+s12+$0x0], $0xffff;
	v17 =	vadd.s32 v2, v13  }
0xa1: {  	v18 =	vld.idx.msk [tilespmem:v19+s12+$0x0], $0xffff;
	_ =	sdelay $0x1  }
0xa2: {  	v16 =	vld.idx.msk [tilespmem:v16+s12+$0x0], $0xffff;
	_ =	sdelay $0x1  }
0xa3: {  	v17 =	vld.idx.msk [tilespmem:v17+s12+$0x0], $0xffff;
	_ =	sdelay $0x1  }
0xa4: {  	v15 =	vmul.f32 v15, v8;
	v18 =	vmul.f32 v18, v11;
	_ =	sdelay $0x1  }
0xa5: {  	v15 =	vadd.f32 v18, v15;
	v16 =	vmul.f32 v16, v10  }
0xa6: {  	v18 =	vadd.s32 v2, v14  }
0xa7: {  	v15 =	vadd.f32 v16, v15;
	v16 =	vmul.f32 v17, v9;
	v17 =	vor.u32 v3, v7  }
0xa8: {  	v19 =	vadd.s32 v3, v6  }
0xa9: {  	v15 =	vadd.f32 v16, v15  }
0xaa: {  	v16 =	vor.u32 v3, v12  }
0xab: {  	[tilespmem:v18+s21+$0x0] =	vst.idx.msk $0xffff, v15  }
0xac: {  	v15 =	vadd.s32 v3, v13;
	v18 =	vld.idx.msk [tilespmem:v17+s12+$0x0], $0xffff  }
0xad: {  	v17 =	vld.idx.msk [tilespmem:v19+s12+$0x0], $0xffff  }
.Ltmp0:
0xae: {  	(pc) =	sbr.rel @p0 .LBB2_3-.Ltmp0, $3  }
0xaf: {  	v16 =	vld.idx.msk [tilespmem:v16+s12+$0x0], $0xffff;
	_ =	sdelay $0x1  }
0xb0: {  	s26 =	sadd.s32 $0x4, s26;
	v15 =	vld.idx.msk [tilespmem:v15+s12+$0x0], $0xffff  }
0xb1: {  	v18 =	vmul.f32 v18, v8  }
0xb2: {  	v17 =	vmul.f32 v17, v11;
	_ =	sdelay $0x1  }
0xb3: {  	v16 =	vmul.f32 v16, v10;
	v17 =	vadd.f32 v17, v18  }
0xb4: {  	v60 =	vadd.s32 v3, v14  }
0xb5: {  	v19 =	vor.u32 v4, v7;
	v15 =	vmul.f32 v15, v9;
	v16 =	vadd.f32 v16, v17  }
0xb6: {  	v61 =	vadd.s32 v4, v6  }
0xb7: {  	v15 =	vadd.f32 v15, v16  }
0xb8: {  	v62 =	vadd.s32 v4, v12  }
0xb9: {  	[tilespmem:v60+s21+$0x0] =	vst.idx.msk $0xffff, v15  }
0xba: {  	v63 =	vor.u32 v4, v13;
	v18 =	vld.idx.msk [tilespmem:v19+s12+$0x0], $0xffff  }
0xbb: {  	v17 =	vld.idx.msk [tilespmem:v61+s12+$0x0], $0xffff;
	_ =	sdelay $0x1  }
0xbc: {  	v16 =	vld.idx.msk [tilespmem:v62+s12+$0x0], $0xffff;
	_ =	sdelay $0x1  }
0xbd: {  	v15 =	vld.idx.msk [tilespmem:v63+s12+$0x0], $0xffff  }
0xbe: {  	v18 =	vmul.f32 v18, v8;
	v17 =	vmul.f32 v17, v11;
	_ =	sdelay $0x1  }
0xbf: {  	v16 =	vmul.f32 v16, v10;
	v17 =	vadd.f32 v17, v18  }
0xc0: {  	v21 =	vadd.s32 v4, v14  }
0xc1: {  	v7 =	vor.u32 v5, v7;
	v15 =	vmul.f32 v15, v9;
	v16 =	vadd.f32 v16, v17  }
0xc2: {  	v6 =	vadd.s32 v5, v6  }
0xc3: {  	v15 =	vadd.f32 v15, v16  }
0xc4: {  	v22 =	vadd.s32 v5, v12  }
0xc5: {  	[tilespmem:v21+s21+$0x0] =	vst.idx.msk $0xffff, v15  }
0xc6: {  	v23 =	vor.u32 v5, v13;
	v7 =	vld.idx.msk [tilespmem:v7+s12+$0x0], $0xffff  }
0xc7: {  	v6 =	vld.idx.msk [tilespmem:v6+s12+$0x0], $0xffff;
	_ =	sdelay $0x1  }
0xc8: {  	v12 =	vld.idx.msk [tilespmem:v22+s12+$0x0], $0xffff;
	_ =	sdelay $0x1  }
0xc9: {  	v13 =	vld.idx.msk [tilespmem:v23+s12+$0x0], $0xffff  }
0xca: {  	v7 =	vmul.f32 v7, v8;
	v6 =	vmul.f32 v6, v11;
	_ =	sdelay $0x1  }
0xcb: {  	v24 =	vmov s26;
	v6 =	vadd.f32 v6, v7;
	v7 =	vmul.f32 v12, v10  }
0xcc: {  	s28 =	sadd.s32 $0x1, s26;
	v26 =	vadd.s32 v5, v14;
	v25 =	vmul.u32 $0x60, v24  }
0xcd: {  	v27 =	vmov s28;
	v6 =	vadd.f32 v7, v6;
	v7 =	vmul.f32 v13, v9  }
0xce: {  	s30 =	sadd.s32 $0x2, s26;
	v28 =	vmul.u32 $0x60, v27;
	v29 =	vor.u32 v0, v25  }
0xcf: {  	s31 =	sadd.s32 $0x3, s26;
	v30 =	vmov s30;
	v6 =	vadd.f32 v7, v6  }
0xd0: {  	v31 =	vmov s31;
	v32 =	vmul.u32 $0x60, v30;
	v7 =	vor.u32 v0, v28  }
0xd1: {  	v33 =	vmul.u32 $0x60, v31;
	[tilespmem:v26+s21+$0x0] =	vst.idx.msk $0xffff, v6  }
0xd2: {  	v34 =	vor.u32 v0, v32;
	v6 =	vld.idx.msk [tilespmem:v24+s10+$0x0], $0xffff  }
0xd3: {  	v35 =	vor.u32 v0, v33;
	v11 =	vld.idx.msk [tilespmem:v29+s12+$0x0], $0xffff  }
0xd4: {  	v12 =	vld.idx.msk [tilespmem:v27+s10+$0x0], $0xffff  }
0xd5: {  	v7 =	vld.idx.msk [tilespmem:v7+s12+$0x0], $0xffff  }
0xd6: {  	v14 =	vld.idx.msk [tilespmem:v30+s10+$0x0], $0xffff  }
0xd7: {  	v8 =	vld.idx.msk [tilespmem:v34+s12+$0x0], $0xffff  }
0xd8: {  	v36 =	vmov s25;
	v13 =	vld.idx.msk [tilespmem:v35+s12+$0x0], $0xffff  }
0xd9: {  	v18 =	vmul.u32 $0x60, v36;
	v15 =	vld.idx.msk [tilespmem:v31+s10+$0x0], $0xffff  }
0xda: {  	v11 =	vmul.f32 v11, v6;
	v7 =	vmul.f32 v7, v12  }
0xdb: {  	v18 =	vbroadcast v18, $0x0  }
0xdc: {  	v8 =	vmul.f32 v8, v14;
	v7 =	vadd.f32 v7, v11  }
0xdd: {  	v37 =	vor.u32 v0, v18  }
0xde: {  	v39 =	vor.u32 v1, v25;
	v38 =	vmul.f32 v13, v15;
	v7 =	vadd.f32 v8, v7  }
0xdf: {  	v40 =	vor.u32 v1, v28  }
0xe0: {  	v7 =	vadd.f32 v38, v7  }
0xe1: {  	v41 =	vor.u32 v1, v32  }
0xe2: {  	[tilespmem:v37+s21+$0x0] =	vst.idx.msk $0xffff, v7  }
0xe3: {  	v42 =	vor.u32 v1, v33;
	v7 =	vld.idx.msk [tilespmem:v39+s12+$0x0], $0xffff  }
0xe4: {  	v43 =	vld.idx.msk [tilespmem:v40+s12+$0x0], $0xffff;
	_ =	sdelay $0x1  }
0xe5: {  	v8 =	vld.idx.msk [tilespmem:v41+s12+$0x0], $0xffff;
	_ =	sdelay $0x1  }
0xe6: {  	v11 =	vld.idx.msk [tilespmem:v42+s12+$0x0], $0xffff  }
0xe7: {  	v7 =	vmul.f32 v7, v6;
	v13 =	vmul.f32 v43, v12;
	_ =	sdelay $0x1  }
0xe8: {  	v8 =	vmul.f32 v8, v14;
	v7 =	vadd.f32 v13, v7  }
0xe9: {  	v44 =	vor.u32 v1, v18  }
0xea: {  	v46 =	vor.u32 v2, v25;
	v45 =	vmul.f32 v11, v15;
	v7 =	vadd.f32 v8, v7  }
0xeb: {  	v47 =	vadd.s32 v2, v28  }
0xec: {  	v7 =	vadd.f32 v45, v7  }
0xed: {  	v48 =	vor.u32 v2, v32  }
0xee: {  	[tilespmem:v44+s21+$0x0] =	vst.idx.msk $0xffff, v7  }
0xef: {  	v49 =	vadd.s32 v2, v33;
	v7 =	vld.idx.msk [tilespmem:v46+s12+$0x0], $0xffff  }
0xf0: {  	v13 =	vld.idx.msk [tilespmem:v47+s12+$0x0], $0xffff;
	_ =	sdelay $0x1  }
0xf1: {  	v8 =	vld.idx.msk [tilespmem:v48+s12+$0x0], $0xffff;
	_ =	sdelay $0x1  }
0xf2: {  	v11 =	vld.idx.msk [tilespmem:v49+s12+$0x0], $0xffff  }
0xf3: {  	v7 =	vmul.f32 v7, v6;
	v13 =	vmul.f32 v13, v12;
	_ =	sdelay $0x1  }
0xf4: {  	v8 =	vmul.f32 v8, v14;
	v7 =	vadd.f32 v13, v7  }
0xf5: {  	v50 =	vadd.s32 v2, v18  }
0xf6: {  	v52 =	vor.u32 v3, v25;
	v51 =	vmul.f32 v11, v15;
	v7 =	vadd.f32 v8, v7  }
0xf7: {  	v53 =	vadd.s32 v3, v28  }
0xf8: {  	v7 =	vadd.f32 v51, v7  }
0xf9: {  	v54 =	vor.u32 v3, v32  }
0xfa: {  	[tilespmem:v50+s21+$0x0] =	vst.idx.msk $0xffff, v7  }
0xfb: {  	v55 =	vadd.s32 v3, v33;
	v7 =	vld.idx.msk [tilespmem:v52+s12+$0x0], $0xffff  }
0xfc: {  	v13 =	vld.idx.msk [tilespmem:v53+s12+$0x0], $0xffff;
	_ =	sdelay $0x1  }
0xfd: {  	v8 =	vld.idx.msk [tilespmem:v54+s12+$0x0], $0xffff;
	_ =	sdelay $0x1  }
0xfe: {  	v11 =	vld.idx.msk [tilespmem:v55+s12+$0x0], $0xffff  }
0xff: {  	v7 =	vmul.f32 v7, v6;
	v13 =	vmul.f32 v13, v12;
	_ =	sdelay $0x1  }
0x100: {  	v8 =	vmul.f32 v8, v14;
	v7 =	vadd.f32 v13, v7  }
0x101: {  	v56 =	vadd.s32 v3, v18  }
0x102: {  	v57 =	vor.u32 v4, v25;
	v58 =	vmul.f32 v11, v15;
	v7 =	vadd.f32 v8, v7  }
0x103: {  	v59 =	vadd.s32 v4, v28  }
0x104: {  	v7 =	vadd.f32 v58, v7  }
0x105: {  	v60 =	vadd.s32 v4, v32  }
0x106: {  	[tilespmem:v56+s21+$0x0] =	vst.idx.msk $0xffff, v7  }
0x107: {  	v7 =	vor.u32 v4, v33;
	v13 =	vld.idx.msk [tilespmem:v57+s12+$0x0], $0xffff  }
0x108: {  	v11 =	vld.idx.msk [tilespmem:v59+s12+$0x0], $0xffff;
	_ =	sdelay $0x1  }
0x109: {  	v8 =	vld.idx.msk [tilespmem:v60+s12+$0x0], $0xffff;
	_ =	sdelay $0x1  }
0x10a: {  	v7 =	vld.idx.msk [tilespmem:v7+s12+$0x0], $0xffff  }
0x10b: {  	v13 =	vmul.f32 v13, v6;
	v11 =	vmul.f32 v11, v12;
	_ =	sdelay $0x1  }
0x10c: {  	v8 =	vmul.f32 v8, v14;
	v11 =	vadd.f32 v11, v13  }
0x10d: {  	v61 =	vadd.s32 v4, v18  }
0x10e: {  	v10 =	vor.u32 v5, v25;
	v8 =	vadd.f32 v8, v11;
	v7 =	vmul.f32 v7, v15  }
0x10f: {  	v9 =	vadd.s32 v5, v28  }
0x110: {  	v7 =	vadd.f32 v7, v8  }
0x111: {  	v62 =	vadd.s32 v5, v32  }
0x112: {  	[tilespmem:v61+s21+$0x0] =	vst.idx.msk $0xffff, v7  }
0x113: {  	v7 =	vor.u32 v5, v33;
	v10 =	vld.idx.msk [tilespmem:v10+s12+$0x0], $0xffff  }
0x114: {  	v9 =	vld.idx.msk [tilespmem:v9+s12+$0x0], $0xffff;
	_ =	sdelay $0x1  }
0x115: {  	v8 =	vld.idx.msk [tilespmem:v62+s12+$0x0], $0xffff;
	_ =	sdelay $0x1  }
0x116: {  	v7 =	vld.idx.msk [tilespmem:v7+s12+$0x0], $0xffff  }
0x117: {  	v6 =	vmul.f32 v10, v6;
	v9 =	vmul.f32 v9, v12;
	_ =	sdelay $0x1  }
0x118: {  	v8 =	vmul.f32 v8, v14;
	v6 =	vadd.f32 v9, v6  }
0x119: {  	v63 =	vadd.s32 v5, v18  }
0x11a: {  	v6 =	vadd.f32 v8, v6;
	v7 =	vmul.f32 v7, v15;
	_ =	sdelay $0x1  }
0x11b: {  	s24 =	smul.u32 $0xC, s24;
	s23 =	sadd.s32 $0x1, s23;
	v6 =	vadd.f32 v7, v6  }
0x11c: {  	p0 =	sne.s32 s23, $0x31  }
.Ltmp1:
0x11d: {  	s24 =	sadd.s32 s1, s24;
	[tilespmem:v63+s21+$0x0] =	vst.idx.msk $0xffff, v6;
	(pc) =	sbr.rel @p0 .LBB2_2-.Ltmp1, $4  }
0x11e: {  	[hbm4b:s24+s3] =	stream.linear.scatter [tilespmem:s21], [sflag:$0x2], $0x3C00, $0x38;
	[tilespmem:$0x13100] =	vst v63  }
0x11f: {  	_ =	swait.ge [sflag:s9], $0x3C00  }
0x120: {  	[sflag:s9] =	ssyncset.done $0x0  }
0x121: {  	[sflag:s9] =	ssyncadd.s32 $0xFFFFC400  }
0x122: {  	s22 =	sadd.s32 $0x1, s22  }
0x123: {  	p0 =	sne.s32 s22, s8  }
.Ltmp2:
0x124: {  	_ = 	snop;
	(pc) =	sbr.rel @p0 .LBB2_1-.Ltmp2, $1  }
0x125: {  	_ =	sdelay $0x3  }
0x126: {  	_ =	sfence.sel $0x180000  }
0x127: {  	[bflag:$0x0] =	sbarrier.arrive $0xFFFF  }
0x128: {  	p0 =	sne.s32 s2, $0x0;
	_ =	strace $0x90000047  }
0x129: {  	s0 =	sadd.s32 @!p0 $0x100000, s0;
	[bflag:$0x2] =	sbarrier.arrive $0xFFFF  }
0x12a: {  	[sflag:s0] =	ssyncadd.tile.s32 @!p0 $0x1;
	_ =	shalt  }
.Lfunc_end2:
_tile_overlayer_lowered:
.L_overlay_start_2:
0x12b: {  	(tag) =	ssettag $0x2  }
0x12c: {  	s0 =	rddreg [dreg:$0x0];
	s2 =	stileid.u32  }
0x12d: {  	s1 =	rddreg [dreg:$0x1];
	p0 =	sne.s32 s2, $0x0  }
0x12e: {  	s3 =	rddreg [dreg:$0x2];
	[bflag:$0x3] =	sbarrier.arrive $0xFFFF;
	s2 =	simm.s32 @!p0 $0x1C02  }
0x12f: {  	[timem:s3], [sflag:s2] =	dma.local @!p0 [hbm:s0], s1  }
0x130: {  	s0 =	simm.s32 @!p0 $0x2  }
0x131: {  	_ =	swait.ge @!p0 [sflag:s0], s1  }
0x132: {  	s1 =	ssub.s32 @!p0 $0x0, s1;
	[sflag:s0] =	ssyncset.done @!p0 $0x0  }
0x133: {  	[sflag:s0] =	ssyncadd.s32 @!p0 s1  }
0x134: {  	[bflag:$0x3] =	sbarrier.arrive $0xFFFF  }
0x135: {  	_ =	shalt  }

// kernel: sparse-core-data-format-call.cloned.1.call-start
scs
called_computation_lowered:
.L_overlay_start_0:
0x0: {  	s2 =	sld [smem:$0x3FD9]  }
0x1: {  	s3 =	sld [smem:$0x3FFE];
	_ =	sdelay $0x1  }
0x2: {  	s1 =	srdreg.scid  }
0x3: {  	s0 =	sand.u32 $0x1, s1  }
0x4: {  	s18 =	sshll.u32 s0, $0xA;
	s2 =	sadd.s32 s3, s2  }
0x5: {  	s2 =	sadd.s32 s2, s18  }
0x6: {  	[smem:$0x3FC5] =	sst s2  }
0x7: {  	_ = 	snop  }
0x8: {  	s2 =	sld [smem:$0x3FD0];
	(tm) =	ssettm $0x1  }
0x9: {  	s19 =	sld [smem:$0x3FFB];
	_ =	sdelay $0x3  }
0xa: {  	_ =	strace s19  }
0xb: {  	s3 =	sld [smem:$0x3FFC];
	_ =	sdelay $0x3  }
0xc: {  	_ =	strace s3  }
0xd: {  	s3 =	sld [smem:$0x3FFD];
	_ =	sdelay $0x3  }
0xe: {  	_ =	strace s3  }
0xf: {  	_ =	strace $0x8FFFFFFF  }
0x10: {  	s20 =	sld [smem:$0x3FDB];
	_ =	sdelay $0x1  }
0x11: {  	s4 =	simm.s32 $_scs_section_size  }
0x12: {  	s5 =	simm.s32 $_size__tile_overlayer_lowered;
	s6 =	simm.s32 $_tile_overlayer_lowered  }
0x13: {  	s23 =	simm.s32 $0x1BFF;
	s22 =	sshll.u32 s6, $0x1;
	s3 =	sadd.s32 s4, s20  }
0x14: {  	s7 =	simm.s32 $0x0;
	s21 =	sshll.u32 s5, $0x1;
	s5 =	sadd.s32 s22, s3  }
0x15: {  	[timem:s7], [sflag:s23] =	dma.local [hbm:s5], s21  }
0x16: {  	_ =	swait.ge [sflag:s23], s21  }
0x17: {  	s4 =	ssub.s32 $0x0, s21;
	[sflag:s23] =	ssyncset.done $0x0  }
0x18: {  	[sflag:s23] =	ssyncadd.s32 s4;
	_ =	sdelay $0x1  }
0x19: {  	s24 =	simm.s32 $0x1B8B  }
0x1a: {  	_ =	swait.ge [sflag:s24], $0x1  }
0x1b: {  	[sflag:s24] =	ssyncset.done $0x0  }
0x1c: {  	s26 =	simm.s32 $0x1B8E;
	s25 =	sld [smem:$0x3FFE];
	[sflag:s24] =	ssyncadd.s32 $0xFFFFFFFF  }
0x1d: {  	s27 =	simm.s32 $execute0_lowered;
	[smem:$0x3FD2] =	sst s26  }
0x1e: {  	s5 =	sshll.u32 s27, $0x1;
	_ =	strace $0x80000049;
	[dreg:$0x1] =	wrdreg $0xFFFFFFFF  }
0x1f: {  	s28 =	simm.s32 $_size_execute0_lowered;
	s3 =	sadd.s32 s3, s5;
	[dreg:$0x0] =	wrdreg $0x0  }
0x20: {  	s5 =	sshll.u32 s28, $0x1;
	[dreg:$0x2] =	wrdreg s3  }
0x21: {  	[dreg:$0x3] =	wrdreg s5  }
0x22: {  	[dreg:$0x4] =	wrdreg $0xC0  }
0x23: {  	_ =	task [dreg:s7], $0x5FFFF  }
0x24: {  	[dreg:$0x1] =	wrdreg $0xFFFFFFFF  }
0x25: {  	[dreg:$0x0] =	wrdreg $0x60  }
0x26: {  	[dreg:$0x2] =	wrdreg s25  }
0x27: {  	[dreg:$0x3] =	wrdreg s2  }
0x28: {  	[dreg:$0x4] =	wrdreg $0x9  }
0x29: {  	_ =	task.clear_ibuf [dreg:s7], $0x5FFFF;
	_ =	strace $0x90000049  }
0x2a: {  	s29 =	simm.s32 $0x9;
	_ =	strace $0x8000004B  }
0x2b: {  	_ =	swait.ge [sflag:s29], $0x1  }
0x2c: {  	[sflag:s29] =	ssyncadd.s32 $0xFFFFFFFF  }
0x2d: {  	_ =	strace $0x9000004B  }
0x2e: {  	_ =	sfence  }
0x2f: {  	s30 =	sld [smem:$0x0];
	_ =	sdelay $0x2  }
0x30: {  	s31 =	sshll.u32 s1, $0xD;
	s1 =	sshrl.u32 s1, $0x2  }
0x31: {  	s3 =	sand.u32 $0x4000, s31;
	s1 =	sadd.s32 s1, s30  }
0x32: {  	s0 =	sor.u32 s3, s0;
	s1 =	sshll.u32 s1, $0x11  }
0x33: {  	s0 =	sor.u32 s1, s0  }
0x34: {  	s0 =	sadd.s32 $0x8F2B, s0  }
0x35: {  	[sflag:s0] =	ssyncadd.remote.s32 $0x1  }
0x36: {  	_ =	sfence.sel $0xFFFF  }
0x37: {  	[dreg:$0x0] =	wrdreg $0xFFFFFFFF;
	(pc) =	sbr.abs _section_cstart, $3  }
0x38: {  	[dreg:$0x1] =	wrdreg $0xFFFFFFFF  }
0x39: {  	_ =	task.clear_ibuf [dreg:s7], $0x2FFFF;
	_ =	strace $0x9FFFFFFF  }
0x3a: {  	(tm) =	ssettm $0x7FFFFFFF  }
0x3b: {  	_ =	shalt  }
tec
execute0_lowered:
.L_overlay_start_1:
0x0: {  	(tag) =	ssettag $0x1  }
0x1: {  	s0 =	rddreg [dreg:$0x0]  }
0x2: {  	s1 =	srdreg.scid;
	s2 =	stileid.u32  }
0x3: {  	_ =	strace $0x8000004A;
	s30 =	simm.s32 $0x1;
	s31 =	simm.s32 $0x2  }
0x4: {  	s18 =	simm.s32 $0x0;
	s20 =	simm.s32 $0x0;
	s19 =	simm.s32 $0x0  }
0x5: {  	s11 =	simm.s32 $0x0;
	s12 =	simm.s32 $0x0;
	s13 =	simm.s32 $0x0  }
0x6: {  	s15 =	simm.s32 $0x0;
	s17 =	simm.s32 $0x0;
	s1 =	sshll.u32 s1, $0x4  }
0x7: {  	s6 =	sand.u32 $0x7, s2;
	s7 =	sadd.s32 $0x791C00, s0;
	s1 =	sand.u32 $0x10, s1  }
0x8: {  	s0 =	simm.s32 $0x0;
	[sflag:s30] =	ssyncpa.u1 $0x0;
	s1 =	sor.u32 s2, s1  }
0x9: {  	p0 =	seq.s32 s6, $0x7;
	[dreg:$0x3] =	wrdreg s6;
	s8 =	sshrl.u32 s1, $0x3  }
.Ltmp0:
0xa: {  	s1 =	simm.s32 $0x1;
	p1 =	sne.s32 s8, $0x3;
	(pc) =	sbr.rel .LBB1_1-.Ltmp0, $4  }
0xb: {  	[dreg:$0x4] =	wrdreg s7;
	s0 =	simm.s32 @!p0 $0x28;
	s1 =	simm.s32 @!p1 $0x0  }
0xc: {  	[sflag:s31] =	ssyncpa.u1 $0x0;
	[dreg:$0x5] =	wrdreg s8;
	s9 =	sshll.u32 s0, s1  }
0xd: {  	s16 =	smov.u32 s6;
	s10 =	sor.u32 $0x1, s9;
	[dreg:$0x6] =	wrdreg s9  }
0xe: {  	p0 =	por $0x0, $0x0;
	s14 =	smov.u32 s8;
	[dreg:$0x7] =	wrdreg s10  }
.LBB1_13:
0xf: {  	s13 =	rddreg [dreg:$0xa]  }
0x10: {  	s4 =	rddreg [dreg:$0x14]  }
0x11: {  	s5 =	rddreg [dreg:$0x11]  }
0x12: {  	s11 =	rddreg [dreg:$0x8]  }
0x13: {  	s22 =	rddreg [dreg:$0x12]  }
0x14: {  	s23 =	rddreg [dreg:$0x13]  }
0x15: {  	s12 =	rddreg [dreg:$0x9]  }
0x16: {  	s27 =	rddreg [dreg:$0x1]  }
0x17: {  	s8 =	rddreg [dreg:$0x5]  }
0x18: {  	s9 =	rddreg [dreg:$0x6]  }
0x19: {  	s10 =	rddreg [dreg:$0x7]  }
0x1a: {  	s14 =	rddreg [dreg:$0xb]  }
0x1b: {  	s16 =	rddreg [dreg:$0xc]  }
0x1c: {  	s17 =	rddreg [dreg:$0xd]  }
0x1d: {  	s31 =	simm.s32 $0xA000;
	s18 =	rddreg [dreg:$0xe]  }
0x1e: {  	s0 =	sshll.u32 s13, $0x3;
	s1 =	sand.u32 $0x7F, s13;
	s4 =	smul.u32 $0x10200, s4  }
0x1f: {  	p1 =	sgt.s32 s13, $0x1380;
	s3 =	smov.u32 s13;
	s25 =	smul.u32 $0x69000, s12  }
0x20: {  	s7 =	smov.u32 s11;
	s26 =	smul.u32 $0xF000, s11;
	s2 =	sand.u32 $0xFFFFFC00, s0  }
0x21: {  	s0 =	smulhi.u32 $0xCCCCCCCD, s0;
	s3 =	simm.s32 @!p1 $0x1380;
	p1 =	sgt.s32 s11, $0x6  }
0x22: {  	s1 =	sor.u32 s1, s2;
	s3 =	sadd.s32 s5, s3;
	s7 =	simm.s32 @!p1 $0x6  }
0x23: {  	s20 =	sshrl.u32 s4, $0x2;
	s2 =	smulhi.u32 $0xCCCCCCCD, s1;
	s0 =	sshrl.u32 s0, $0xC  }
0x24: {  	s6 =	ssub.s32 $0x1400, s3;
	s3 =	sadd.s32 $0xFFFFEC80, s3;
	s19 =	smulhi.u32 $0x2AAAAAB, s0  }
0x25: {  	s4 =	sadd.s32 s22, s7;
	s7 =	rddreg [dreg:$0x4];
	s6 =	smul.u32 $0x60, s6  }
0x26: {  	p2 =	sgt.s32 s3, $0x7F;
	s24 =	sadd.s32 $0xFFFFFFFA, s4;
	s2 =	sshrl.u32 s2, $0xC  }
0x27: {  	s3 =	ssub.s32 $0x7, s4;
	p1 =	sgt.s32 s24, $0x0;
	s2 =	smul.u32 $0x1400, s2  }
0x28: {  	s21 =	smul.u32 $0x60, s19;
	s6 =	simm.s32 @p2 $0x0;
	s3 =	simm.s32 @p1 $0x0  }
0x29: {  	s19 =	rddreg [dreg:$0xf];
	s5 =	smul.u32 s23, s6;
	s6 =	sadd.s32 s27, s25  }
0x2a: {  	s1 =	ssub.s32 s1, s2;
	s2 =	sor.u32 $0x8000, s20;
	s0 =	ssub.s32 s0, s21  }
0x2b: {  	s4 =	sadd.s32 s26, s6;
	s6 =	rddreg [dreg:$0x3];
	s0 =	smul.u32 $0x280, s0  }
0x2c: {  	s20 =	rddreg [dreg:$0x10];
	s3 =	smul.u32 s3, s5;
	s28 =	sand.u32 $0x7, s1  }
0x2d: {  	s1 =	sshrl.u32 s1, $0x3;
	s29 =	sshll.u32 s28, $0x12;
	s0 =	sadd.s32 s0, s4  }
0x2e: {  	s3 =	sand.u32 $0x3FFFFFE0, s3;
	s30 =	sor.u32 $0x400, s29;
	s0 =	sadd.s32 s1, s0  }
0x2f: {  	[hbm4b:s0+s30] =	stream.strided.scatter [tilespmem:s2], [sflag:$0x2], s3, s31, s30, $0x20;
	[tilespmem:$0x10100] =	vst v63  }
.LBB1_14:
0x30: {  	p1 =	slt.u32 s17, $0x2  }
0x31: {  	p2 =	sgt.s32 @!p1 s20, $0x6  }
0x32: {  	s0 =	smov.u32 s20;
	s1 =	sshra.s32 @!p1 s20, $0x1F;
	p2 =	por !p2, p1  }
0x33: {  	s1 =	sand.u32 @!p1 s1, s20;
	s0 =	simm.s32 @p2 $0x6  }
0x34: {  	s3 =	smov.u32 s18;
	s2 =	sshra.s32 @!p1 s19, $0x1F;
	s0 =	ssub.s32 @!p1 s0, s1  }
0x35: {  	s2 =	sand.u32 @!p1 s2, s19;
	p2 =	sgt.s32 @!p1 s19, $0x1380;
	s1 =	sadd.s32 @!p1 $0xFFFFFFFA, s0  }
0x36: {  	p2 =	por !p2, p1;
	p3 =	sgt.s32 @!p1 s1, $0x0;
	s1 =	smov.u32 s19  }
0x37: {  	s0 =	ssub.s32 @!p1 $0x7, s0;
	s1 =	simm.s32 @p2 $0x1380;
	p2 =	sgt.s32 @!p1 s18, $0x6  }
0x38: {  	p3 =	por !p3, p1;
	p2 =	por !p2, p1;
	s1 =	ssub.s32 @!p1 s1, s2  }
0x39: {  	s2 =	sshra.s32 @!p1 s18, $0x1F;
	s0 =	simm.s32 @!p3 $0x0;
	s3 =	simm.s32 @p2 $0x6  }
0x3a: {  	s2 =	sand.u32 @!p1 s2, s18;
	s4 =	sadd.s32 @!p1 $0xFFFFEC80, s1;
	s1 =	ssub.s32 @!p1 $0x1400, s1  }
0x3b: {  	s2 =	ssub.s32 @!p1 s3, s2;
	p2 =	sgt.s32 @!p1 s4, $0x7F;
	s1 =	smul.u32 @!p1 $0x60, s1  }
0x3c: {  	s4 =	smov.u32 s16;
	s3 =	sadd.s32 @!p1 $0xFFFFFFFA, s2;
	p2 =	por !p2, p1  }
0x3d: {  	s2 =	ssub.s32 @!p1 $0x7, s2;
	p3 =	sgt.s32 @!p1 s3, $0x0;
	s1 =	simm.s32 @!p2 $0x0  }
0x3e: {  	p2 =	por !p3, p1;
	s0 =	smul.u32 @!p1 s0, s1;
	s1 =	sadd.s32 $0x4, s14  }
0x3f: {  	s3 =	sadd.s32 $0x8, s16;
	s2 =	simm.s32 @!p2 $0x0;
	p2 =	sgt.s32 s1, $0x6  }
0x40: {  	s0 =	smul.u32 @!p1 s2, s0;
	s4 =	smov.u32 @p2 s3  }
0x41: {  	s2 =	sadd.s32 $0x80, s15;
	s3 =	smov.u32 s15;
	p3 =	sgt.s32 s4, $0x6  }
0x42: {  	p0 =	por !p0, !p0;
	s20 =	smov.u32 s12;
	s3 =	smov.u32 @p3 s2  }
0x43: {  	s12 =	smov.u32 s16;
	s1 =	smov.u32 @p2 s8;
	p2 =	sgt.s32 s3, $0x1387  }
0x44: {  	s19 =	smov.u32 s13;
	s3 =	simm.s32 @p2 $0x0;
	p2 =	sne.s32 s17, s10  }
.Ltmp1:
0x45: {  	s13 =	smov.u32 s15;
	s18 =	smov.u32 s11;
	(pc) =	sbr.rel @!p2 .LBB1_15-.Ltmp1, $4  }
0x46: {  	s11 =	smov.u32 s14;
	s0 =	sand.u32 @!p1 $0x3FFFFFE0, s0;
	s2 =	simm.s32 @!p1 $0x2  }
0x47: {  	s14 =	smov.u32 s1;
	s4 =	smov.u32 @p3 s6;
	_ =	swait.ge @!p1 [sflag:s2], s0  }
0x48: {  	s0 =	ssub.s32 @!p1 $0x0, s0;
	s16 =	smov.u32 s4;
	[sflag:s2] =	ssyncset.done @!p1 $0x0  }
0x49: {  	s17 =	sadd.s32 $0x1, s17;
	[sflag:s2] =	ssyncadd.s32 @!p1 s0;
	s15 =	smov.u32 s3  }
.LBB1_1:
0x4a: {  	p1 =	sge.u32 s17, s9;
	s0 =	smov.u32 s15;
	s3 =	smov.u32 s16  }
0x4b: {  	s31 =	sadd.s32 $0xFFFFFFFF, s17;
	p2 =	sgt.s32 @!p1 s15, $0x1308;
	s1 =	sxor.u32 @!p1 $0xFFFFFFFF, s17  }
0x4c: {  	s2 =	sshra.s32 @!p1 s15, $0x1F;
	s4 =	sshra.s32 @!p1 s16, $0x1F;
	p2 =	por !p2, p1  }
0x4d: {  	s2 =	sand.u32 @!p1 s2, s15;
	s0 =	simm.s32 @p2 $0x1308;
	p2 =	sgt.s32 @!p1 s16, $0x6  }
0x4e: {  	s4 =	sand.u32 @!p1 s4, s16;
	p2 =	por !p2, p1;
	s0 =	ssub.s32 @!p1 s0, s2  }
0x4f: {  	s3 =	simm.s32 @p2 $0x6;
	p2 =	sgt.s32 @!p1 s14, $0x7;
	s0 =	sadd.s32 @!p1 $0xFFFFECF8, s0  }
0x50: {  	s2 =	ssub.s32 @!p1 s3, s4;
	p2 =	por !p2, p1;
	s4 =	smov.u32 s14  }
0x51: {  	s3 =	sadd.s32 @!p1 $0xFFFFFFFA, s2;
	s4 =	simm.s32 @p2 $0x7;
	p2 =	sgt.s32 @!p1 s0, $0x7F  }
0x52: {  	s0 =	sshll.u32 @!p1 s0, $0x7;
	p3 =	sgt.s32 @!p1 s3, $0x0;
	s3 =	sshra.s32 @!p1 s14, $0x1F  }
0x53: {  	s2 =	ssub.s32 @!p1 $0x7, s2;
	s0 =	ssub.s32 @!p1 $0x4000, s0;
	s3 =	sand.u32 @!p1 s3, s14  }
0x54: {  	p2 =	por !p2, p1;
	p3 =	por !p3, p1;
	s3 =	ssub.s32 @!p1 s4, s3  }
0x55: {  	s0 =	simm.s32 @!p2 $0x0;
	s2 =	simm.s32 @!p3 $0x0;
	s4 =	sadd.s32 @!p1 $0xFFFFFFF9, s3  }
0x56: {  	s1 =	sshll.u32 @!p1 s1, $0xE;
	s0 =	smul.u32 @!p1 s2, s0;
	p3 =	sgt.s32 @!p1 s4, $0x0  }
0x57: {  	s3 =	ssub.s32 @!p1 $0x8, s3;
	s2 =	smul.u32 @!p1 $0x380, s15;
	p2 =	por !p3, p1  }
0x58: {  	s1 =	sand.u32 @!p1 $0x4000, s1;
	s4 =	sshll.u32 @!p1 s14, $0x4;
	s3 =	simm.s32 @!p2 $0x0  }
0x59: {  	s2 =	sadd.s32 @!p1 s7, s2;
	s0 =	smul.u32 @!p1 s3, s0;
	s3 =	sshll.u32 @!p1 s16, $0x7  }
0x5a: {  	s4 =	sand.u32 @!p1 $0x70, s4;
	s2 =	sadd.s32 @!p1 s3, s2;
	s3 =	simm.s32 @!p1 $0x80  }
0x5b: {  	s0 =	sand.u32 @!p1 $0x3FFFFF80, s0;
	s2 =	sadd.s32 @!p1 s4, s2;
	s4 =	simm.s32 @!p1 $0x1C00  }
0x5c: {  	[tilespmem:s1], [sflag:$0x1] =	stream.strided.gather @!p1 [hbm4b:s2+s3], s0, s4, s3, $0x38;
	[tilespmem:$0x10100] =	vst v63  }
0x5d: {  	p1 =	sge.u32 s31, s9  }
.Ltmp2:
0x5e: {  	_ = 	snop;
	(pc) =	sbr.rel @p1 .LBB1_14-.Ltmp2, $1  }
0x5f: {  	_ =	sdelay $0x3  }
0x60: {  	[dreg:$0x10] =	wrdreg s20  }
0x61: {  	[dreg:$0xf] =	wrdreg s19;
	s0 =	ssub.s32 $0x0, s13  }
0x62: {  	s1 =	sshra.s32 s13, $0x1F;
	p1 =	sgt.s32 s13, $0x1308;
	s2 =	smov.u32 s13  }
0x63: {  	s27 =	sshra.s32 s12, $0x1F;
	s28 =	ssub.s32 $0x0, s11;
	s3 =	sshra.s32 s11, $0x1F  }
0x64: {  	p2 =	sgt.s32 s11, $0x7;
	s4 =	smov.u32 s11;
	s0 =	sand.u32 s0, s1  }
0x65: {  	s2 =	simm.s32 @!p1 $0x1308;
	p1 =	sgt.s32 s12, $0x6;
	s1 =	smov.u32 s12  }
0x66: {  	s4 =	simm.s32 @!p2 $0x7;
	[dreg:$0x11] =	wrdreg s0;
	s0 =	sadd.s32 s0, s2  }
0x67: {  	s1 =	simm.s32 @!p1 $0x6;
	s2 =	sand.u32 s27, s12;
	s0 =	sadd.s32 $0xFFFFECF8, s0  }
0x68: {  	s1 =	ssub.s32 s1, s2;
	s2 =	sand.u32 s28, s3;
	p1 =	sgt.s32 s0, $0x7F  }
0x69: {  	s5 =	sadd.s32 $0xFFFFFFFA, s1;
	[dreg:$0x12] =	wrdreg s2;
	s2 =	sadd.s32 s2, s4  }
0x6a: {  	s0 =	sshll.u32 s0, $0x7;
	s3 =	ssub.s32 $0x7, s1;
	p2 =	sgt.s32 s5, $0x0  }
0x6b: {  	s29 =	sadd.s32 $0xFFFFFFF9, s2;
	s0 =	ssub.s32 $0x4000, s0;
	s1 =	ssub.s32 $0x8, s2  }
0x6c: {  	s2 =	sadd.s32 $0x80, s13;
	s3 =	simm.s32 @p2 $0x0;
	p2 =	sgt.s32 s29, $0x0  }
0x6d: {  	s0 =	simm.s32 @p1 $0x0;
	p1 =	slt.s32 s2, $0x1388;
	[dreg:$0x13] =	wrdreg s3  }
0x6e: {  	s0 =	smul.u32 s3, s0;
	s3 =	sadd.s32 $0x1, s12;
	s2 =	simm.s32 @!p1 $0x1388  }
0x6f: {  	s1 =	simm.s32 @p2 $0x0;
	p1 =	slt.s32 s3, $0x7;
	s23 =	ssub.s32 s2, s13  }
0x70: {  	s0 =	smul.u32 s1, s0;
	s3 =	simm.s32 @!p1 $0x7;
	s1 =	sadd.s32 $0x1, s11  }
0x71: {  	p2 =	slt.s32 s23, $0x1;
	s24 =	ssub.s32 s3, s12;
	p1 =	slt.s32 s1, $0x7  }
0x72: {  	[dreg:$0xe] =	wrdreg s18;
	s1 =	simm.s32 @!p1 $0x7;
	p1 =	slt.s32 @!p2 s24, $0x1  }
0x73: {  	[dreg:$0xc] =	wrdreg s16;
	s26 =	ssub.s32 s1, s11;
	p1 =	por p2, p1  }
0x74: {  	[dreg:$0xb] =	wrdreg s14;
	p2 =	slt.s32 @!p1 s26, $0x1  }
0x75: {  	[dreg:$0xa] =	wrdreg s13;
	p1 =	por p1, p2  }
.Ltmp3:
0x76: {  	[dreg:$0x9] =	wrdreg s12;
	(pc) =	sbr.rel @p1 .LBB1_13-.Ltmp3, $4  }
0x77: {  	[dreg:$0x8] =	wrdreg s11;
	s30 =	simm.s32 $0x1;
	s0 =	sand.u32 $0x3FFFFF80, s0  }
0x78: {  	s31 =	sand.u32 $0x1, s17;
	_ =	swait.ge [sflag:s30], s0  }
0x79: {  	s0 =	ssub.s32 $0x0, s0;
	[dreg:$0xd] =	wrdreg s17;
	[sflag:s30] =	ssyncset.done $0x0  }
0x7a: {  	[dreg:$0x14] =	wrdreg s31;
	[sflag:s30] =	ssyncadd.s32 s0  }
0x7b: {  	s0 =	simm.s32 $0x1  }
.Ltmp4:
0x7c: {  	s0 =	simm.s32 @!p0 $0x0;
	(pc) =	sbr.rel .LBB1_4-.Ltmp4, $4  }
0x7d: {  	s1 =	rddreg [dreg:$0x14];
	s29 =	simm.s32 $0x0;
	s0 =	smul.u32 $0x10200, s0  }
0x7e: {  	s30 =	simm.s32 $0x800;
	s31 =	simm.s32 $0x1000;
	s2 =	simm.s32 $0x0  }
0x7f: {  	s9 =	simm.s32 $0x0;
	s27 =	sshll.u32 s1, $0xE;
	s0 =	sshrl.u32 s0, $0x2  }
0x80: {  	s1 =	simm.s32 $0x2800;
	s28 =	sor.u32 $0x8000, s0;
	s0 =	simm.s32 $0x1800  }
.LBB1_12:
0x81: {  	s9 =	sadd.s32 $0x1, s9  }
0x82: {  	p1 =	sne.s32 s9, s23  }
.Ltmp5:
0x83: {  	_ = 	snop;
	(pc) =	sbr.rel @!p1 .LBB1_13-.Ltmp5, $3  }
0x84: {  	_ =	sdelay $0x1  }
0x85: {  	s2 =	sadd.s32 $0x1, s2;
	s29 =	sadd.s32 $0x8, s29;
	s30 =	sadd.s32 $0x8, s30  }
0x86: {  	s31 =	sadd.s32 $0x8, s31;
	s0 =	sadd.s32 $0x8, s0;
	s1 =	sadd.s32 $0x8, s1  }
.LBB1_4:
0x87: {  	s3 =	sshrl.u32 s29, $0xA;
	s4 =	sand.u32 $0x7F, s2  }
0x88: {  	s5 =	sshrl.u32 s30, $0xA;
	s6 =	sshrl.u32 s31, $0xA;
	s3 =	sand.u32 $0xF, s3  }
0x89: {  	s19 =	sshrl.u32 s0, $0xA;
	s5 =	sand.u32 $0xF, s5;
	s3 =	smul.u32 $0x1020, s3  }
0x8a: {  	s7 =	sshrl.u32 s1, $0xA;
	s6 =	sand.u32 $0xF, s6;
	s5 =	smul.u32 $0x1020, s5  }
0x8b: {  	s8 =	sshrl.u32 s9, $0x4;
	s7 =	sand.u32 $0xF, s7;
	s18 =	smul.u32 $0x1020, s6  }
0x8c: {  	s8 =	sand.u32 $0x78, s8;
	s6 =	sand.u32 $0xF, s19;
	s7 =	smul.u32 $0x1020, s7  }
0x8d: {  	s4 =	sshll.u32 s4, $0x2;
	s8 =	sxor.u32 $0x40, s8;
	s6 =	smul.u32 $0x1020, s6  }
0x8e: {  	s20 =	smul.u32 $0x204, s8;
	s3 =	sshrl.u32 s3, $0x2;
	s5 =	sshrl.u32 s5, $0x2  }
0x8f: {  	s22 =	sshrl.u32 s7, $0x2;
	s7 =	simm.s32 $0x0;
	s25 =	sadd.s32 s3, s28  }
0x90: {  	s19 =	sadd.s32 s5, s28;
	s3 =	sshrl.u32 s18, $0x2;
	s21 =	sshrl.u32 s6, $0x2  }
0x91: {  	s5 =	sshrl.u32 s20, $0x2;
	s10 =	sadd.s32 s3, s28;
	s17 =	sadd.s32 s21, s28  }
0x92: {  	s3 =	sadd.s32 s22, s28;
	s11 =	sadd.s32 s5, s28;
	s5 =	sshrl.u32 s4, $0x2  }
.LBB1_5:
0x93: {  	s4 =	sadd.s32 s9, s7  }
0x94: {  	s4 =	sshll.u32 s4, $0x9  }
0x95: {  	s4 =	sshra.s32 s4, $0x2  }
0x96: {  	s4 =	sadd.s32 s4, s27  }
0x97: {  	v0 =	vmov s4;
	_ =	sdelay $0x2  }
0x98: {  	s22 =	simm.s32 $0x0  }
0x99: {  	p2 =	sne.s32 s26, $0x1;
	s12 =	sand.u32 $0x380, s22  }
.Ltmp6:
0x9a: {  	v11 =	vld.idx.msk [tilespmem:v0+s12+$0x50 ss:$0x1], $0xffff;
	(pc) =	sbr.rel @!p2 .LBB1_6-.Ltmp6, $4  }
0x9b: {  	v10 =	vld.idx.msk [tilespmem:v0+s12+$0x0 ss:$0x1], $0xffff  }
0x9c: {  	v9 =	vld.idx.msk [tilespmem:v0+s12+$0x10 ss:$0x1], $0xffff  }
0x9d: {  	s6 =	simm.s32 $0x80;
	v8 =	vld.idx.msk [tilespmem:v0+s12+$0x20 ss:$0x1], $0xffff  }
0x9e: {  	p1 =	por $0x0, $0x0;
	s22 =	sadd.s32 s5, s3;
	s4 =	sadd.s32 $0xFFFFFFFF, s26;
	v5 =	vld.idx.msk [tilespmem:v0+s12+$0x30 ss:$0x1], $0xffff  }
0x9f: {  	_ =	sdelay $0x3  }
0xa0: {  	s18 =	sand.u32 $0x380, s6;
	v1 =	vld.idx.msk [tilespmem:v0+s12+$0x40 ss:$0x1], $0xffff;
	s14 =	sadd.s32 s5, s25;
	p2 =	sne.s32 s4, $0x1  }
.Ltmp7:
0xa1: {  	[tilespmem:s22+$0x0 ss:$0x81] =	vst.msk $0xffff, v11;
	s16 =	sadd.s32 s5, s19;
	s12 =	sadd.s32 $0xFFFFFFFF, s4;
	v2 =	vld.idx.msk [tilespmem:v0+s18+$0x50 ss:$0x1], $0xffff;
	(pc) =	sbr.rel @!p2 .LBB1_8-.Ltmp7, $4  }
0xa2: {  	s20 =	sadd.s32 s5, s10;
	s6 =	sadd.s32 $0x4080, s25;
	s21 =	sadd.s32 s5, s17;
	v3 =	vld.idx.msk [tilespmem:v0+s18+$0x0 ss:$0x1], $0xffff;
	[tilespmem:s14+$0x0 ss:$0x81] =	vst.msk $0xffff, v10  }
0xa3: {  	s13 =	simm.s32 $0x100;
	p1 =	por $0x1, $0x1;
	s4 =	smov.u32 s19;
	v4 =	vld.idx.msk [tilespmem:v0+s18+$0x10 ss:$0x1], $0xffff;
	[tilespmem:s16+$0x0 ss:$0x81] =	vst.msk $0xffff, v9  }
0xa4: {  	s8 =	smov.u32 s10;
	v6 =	vld.idx.msk [tilespmem:v0+s18+$0x20 ss:$0x1], $0xffff;
	s14 =	sadd.s32 s5, s11;
	s16 =	sadd.s32 $0x4080, s3;
	[tilespmem:s20+$0x0 ss:$0x81] =	vst.msk $0xffff, v8  }
0xa5: {  	v7 =	vld.idx.msk [tilespmem:v0+s18+$0x30 ss:$0x1], $0xffff;
	s22 =	sadd.s32 s5, s16;
	s20 =	smov.u32 s11;
	[tilespmem:s21+$0x0 ss:$0x81] =	vst.msk $0xffff, v5;
	s21 =	smov.u32 s17  }
.LBB1_9:
0xa6: {  	p2 =	sne.s32 s12, $0x1;
	s12 =	sadd.s32 $0xFFFFFFFF, s12;
	[tilespmem:s14+$0x0 ss:$0x81] =	vst.msk $0xffff, v1;
	v1 =	vld.idx.msk [tilespmem:v0+s18+$0x40 ss:$0x1], $0xffff;
	s18 =	sand.u32 $0x380, s13  }
.Ltmp8:
0xa7: {  	s14 =	sadd.s32 s5, s6;
	s4 =	sadd.s32 $0x4080, s4;
	[tilespmem:s22+$0x0 ss:$0x81] =	vst.msk $0xffff, v2;
	v2 =	vld.idx.msk [tilespmem:v0+s18+$0x50 ss:$0x1], $0xffff;
	(pc) =	sbr.rel @p2 .LBB1_9-.Ltmp8, $4  }
0xa8: {  	s8 =	sadd.s32 $0x4080, s8;
	[tilespmem:s14+$0x0 ss:$0x81] =	vst.msk $0xffff, v3;
	v3 =	vld.idx.msk [tilespmem:v0+s18+$0x0 ss:$0x1], $0xffff;
	s14 =	sadd.s32 s5, s4  }
0xa9: {  	s6 =	sadd.s32 $0x4080, s6;
	s21 =	sadd.s32 $0x4080, s21;
	[tilespmem:s14+$0x0 ss:$0x81] =	vst.msk $0xffff, v4;
	v4 =	vld.idx.msk [tilespmem:v0+s18+$0x10 ss:$0x1], $0xffff;
	s14 =	sadd.s32 s5, s8  }
0xaa: {  	s16 =	sadd.s32 $0x4080, s16;
	s20 =	sadd.s32 $0x4080, s20;
	[tilespmem:s14+$0x0 ss:$0x81] =	vst.msk $0xffff, v6;
	v6 =	vld.idx.msk [tilespmem:v0+s18+$0x20 ss:$0x1], $0xffff;
	s14 =	sadd.s32 s5, s21  }
0xab: {  	s13 =	sadd.s32 $0x80, s13;
	s22 =	sadd.s32 s5, s16;
	[tilespmem:s14+$0x0 ss:$0x81] =	vst.msk $0xffff, v7;
	v7 =	vld.idx.msk [tilespmem:v0+s18+$0x30 ss:$0x1], $0xffff;
	s14 =	sadd.s32 s5, s20  }
0xac: {  	_ =	sdelay $0x3  }
0xad: {  	s12 =	smov.u32 s18;
	v11 =	vmovc v2;
	v10 =	vmovc v3;
	v9 =	vmov v4;
	v8 =	vmov v6;
	v5 =	vmov v7  }
.LBB1_11:
0xae: {  	s4 =	sadd.s32 @p1 $0x4080, s4;
	s13 =	smov.u32 s19;
	s6 =	sadd.s32 s5, s6  }
0xaf: {  	s18 =	sadd.s32 $0x4080, s17;
	s7 =	sadd.s32 $0x1, s7;
	s13 =	smov.u32 @p1 s4  }
0xb0: {  	s4 =	sadd.s32 @p1 $0x4080, s8;
	s8 =	smov.u32 s10;
	[tilespmem:s6+$0x0 ss:$0x81] =	vst.msk $0xffff, v10;
	s6 =	sadd.s32 @p1 $0x4080, s21  }
0xb1: {  	s8 =	smov.u32 @p1 s4;
	s17 =	smov.u32 @p1 s6;
	s6 =	sadd.s32 @p1 $0x4080, s20  }
0xb2: {  	[tilespmem:s14+$0x0 ss:$0x81] =	vst.msk @p1 $0xffff, v1;
	v0 =	vld.idx.msk [tilespmem:v0+s12+$0x40 ss:$0x1], $0xffff;
	s20 =	sadd.s32 $0x4080, s11;
	s11 =	smov.u32 @p1 s6;
	p1 =	sne.s32 s7, s24  }
.Ltmp9:
0xb3: {  	[tilespmem:s22+$0x0 ss:$0x81] =	vst.msk $0xffff, v11;
	s16 =	sadd.s32 s5, s13;
	(pc) =	sbr.rel @p1 .LBB1_5-.Ltmp9, $4  }
.Ltmp10:
0xb4: {  	s4 =	sadd.s32 s5, s8;
	[tilespmem:s16+$0x0 ss:$0x81] =	vst.msk $0xffff, v9;
	(pc) =	sbr.rel @!p1 .LBB1_12-.Ltmp10, $4  }
0xb5: {  	s25 =	sadd.s32 $0x4080, s25;
	s21 =	sadd.s32 s5, s17;
	[tilespmem:s4+$0x0 ss:$0x81] =	vst.msk $0xffff, v8  }
0xb6: {  	s19 =	sadd.s32 $0x4080, s19;
	s3 =	sadd.s32 $0x4080, s3;
	[tilespmem:s21+$0x0 ss:$0x81] =	vst.msk $0xffff, v5;
	s22 =	sadd.s32 s5, s11  }
0xb7: {  	s10 =	sadd.s32 $0x4080, s10;
	s17 =	smov.u32 s18;
	s11 =	smov.u32 s20;
	[tilespmem:s22+$0x0 ss:$0x81] =	vst.msk $0xffff, v0  }
0xb8: {  	_ = 	snop  }
.LBB1_6:
.Ltmp11:
0xb9: {  	(pc) =	sbr.rel .LBB1_11-.Ltmp11, $3  }
0xba: {  	_ =	sdelay $0x1  }
0xbb: {  	s6 =	smov.u32 s25;
	s4 =	smov.u32 s19  }
0xbc: {  	s8 =	smov.u32 s10;
	s21 =	smov.u32 s17;
	s20 =	smov.u32 s11  }
.LBB1_8:
.Ltmp12:
0xbd: {  	_ = 	snop;
	(pc) =	sbr.rel .LBB1_11-.Ltmp12, $3  }
0xbe: {  	_ =	sdelay $0x1  }
0xbf: {  	s12 =	smov.u32 s18;
	s4 =	smov.u32 s19  }
0xc0: {  	v11 =	vmovc v2;
	s8 =	smov.u32 s10;
	s21 =	smov.u32 s17;
	s20 =	smov.u32 s11;
	v10 =	vmovc v3;
	v9 =	vmov v4;
	v8 =	vmov v6;
	v5 =	vmov v7  }
.LBB1_15:
0xc1: {  	_ =	sfence.sel $0x180000  }
0xc2: {  	s0 =	simm.s32 $0x1;
	[bflag:$0x0] =	sbarrier.arrive $0xFFFF  }
0xc3: {  	s30 =	simm.s32 $0x2;
	[sflag:s0] =	ssyncpa.u1 $0x1  }
0xc4: {  	[sflag:s30] =	ssyncpa.u1 $0x1  }
0xc5: {  	_ =	strace $0x9000004A  }
0xc6: {  	s31 =	stileid.u32;
	[bflag:$0x2] =	sbarrier.arrive $0xFFFF  }
0xc7: {  	p0 =	sne.s32 s31, $0x0;
	s0 =	rddreg [dreg:$0x2]  }
0xc8: {  	s0 =	sadd.s32 @!p0 $0x100000, s0  }
0xc9: {  	[sflag:s0] =	ssyncadd.tile.s32 @!p0 $0x1;
	_ =	shalt  }
.Lfunc_end1:
_tile_overlayer_lowered:
.L_overlay_start_2:
0xca: {  	(tag) =	ssettag $0x2  }
0xcb: {  	s0 =	rddreg [dreg:$0x0];
	s2 =	stileid.u32  }
0xcc: {  	s1 =	rddreg [dreg:$0x1];
	p0 =	sne.s32 s2, $0x0  }
0xcd: {  	s3 =	rddreg [dreg:$0x2];
	[bflag:$0x3] =	sbarrier.arrive $0xFFFF;
	s2 =	simm.s32 @!p0 $0x1C01  }
0xce: {  	[timem:s3], [sflag:s2] =	dma.local @!p0 [hbm:s0], s1  }
0xcf: {  	s0 =	simm.s32 @!p0 $0x1  }
0xd0: {  	_ =	swait.ge @!p0 [sflag:s0], s1  }
0xd1: {  	s1 =	ssub.s32 @!p0 $0x0, s1;
	[sflag:s0] =	ssyncset.done @!p0 $0x0  }
0xd2: {  	[sflag:s0] =	ssyncadd.s32 @!p0 s1  }
0xd3: {  	[bflag:$0x3] =	sbarrier.arrive $0xFFFF  }
0xd4: {  	_ =	shalt  }

</sc_bundles>
